<compile_context>
chip_gen: v7x
topology: tpu7x:2x2x1
jax: 0.10.2.dev20260603
libtpu: 0.0.44.dev20260713+nightly
codegen_flags: <defaults>
</compile_context>

<pallas_src>
import functools

import jax
import jax.numpy as jnp
from jax import lax
from jax.experimental import pallas as pl
from jax.experimental.pallas import tpu as pltpu
from jax.experimental.pallas import tpu_sc as plsc

D = 64
NC = 2
NS = 16
NW = NC * NS
LANES = 16



def _proj_body(x_ref, wt_ref, o_ref):
    o_ref[...] = jnp.dot(x_ref[...], wt_ref[...],
                         preferred_element_type=jnp.float32)


def _projb_body(x_ref, wt_ref, b_ref, o_ref):
    o_ref[...] = jnp.dot(x_ref[...], wt_ref[...],
                         preferred_element_type=jnp.float32) + b_ref[...]


def _project_tables(char_table, lang_table, W, b):
    V, _ = char_table.shape
    Vl, _ = lang_table.shape
    wt_c = W[:, :D].T
    wt_l = W[:, D:].T
    blk = 10000
    char_proj = pl.pallas_call(
        _proj_body,
        grid=(V // blk,),
        in_specs=[pl.BlockSpec((blk, D), lambda i: (i, 0)),
                  pl.BlockSpec((D, D), lambda i: (0, 0))],
        out_specs=pl.BlockSpec((blk, D), lambda i: (i, 0)),
        out_shape=jax.ShapeDtypeStruct((V, D), jnp.float32),
    )(char_table, wt_c)
    lang_proj = pl.pallas_call(
        _projb_body,
        in_specs=[pl.BlockSpec((Vl, D), lambda: (0, 0)),
                  pl.BlockSpec((D, D), lambda: (0, 0)),
                  pl.BlockSpec((1, D), lambda: (0, 0))],
        out_specs=pl.BlockSpec((Vl, D), lambda: (0, 0)),
        out_shape=jax.ShapeDtypeStruct((Vl, D), jnp.float32),
    )(lang_table, wt_l, b.reshape(1, D))
    return char_proj, lang_proj



def _make_gather_add(n_tokens, chunk):
    per_w = n_tokens // NW
    n_chunks = per_w // chunk
    mesh = plsc.VectorSubcoreMesh(core_axis_name="c", subcore_axis_name="s")

    @functools.partial(
        pl.kernel,
        out_type=jax.ShapeDtypeStruct((n_tokens, D), jnp.float32),
        mesh=mesh,
        compiler_params=pltpu.CompilerParams(use_tc_tiling_on_sc=False),
        scratch_types=[
            pltpu.VMEM((n_chunks, chunk), jnp.int32),
            pltpu.VMEM((n_chunks, chunk), jnp.int32),
            pltpu.VMEM((2, chunk, D), jnp.float32),
            pltpu.VMEM((2, chunk, D), jnp.float32),
            pltpu.VMEM((2, chunk, D), jnp.float32),
            pltpu.VMEM_SHARED((1000, D), jnp.float32),
            pltpu.SemaphoreType.DMA,
            pltpu.SemaphoreType.DMA,
            pltpu.SemaphoreType.DMA,
            pltpu.SemaphoreType.DMA,
            pltpu.SemaphoreType.DMA,
            pltpu.SemaphoreType.DMA,
        ],
    )
    def k(char_hbm, lang_hbm, ci_hbm, li_hbm, out_hbm,
          ci_all, li_all, buf_c, buf_l, buf_o, lang_v,
          gc0, gc1, gl0, gl1, ss0, ss1):
        gsem_c = [gc0, gc1]
        gsem_l = [gl0, gl1]
        ssem = [ss0, ss1]
        wid = lax.axis_index("s") * NC + lax.axis_index("c")
        cbase = wid * n_chunks
        tbase = cbase * chunk

        pltpu.sync_copy(ci_hbm.at[pl.ds(cbase, n_chunks)], ci_all)
        pltpu.sync_copy(li_hbm.at[pl.ds(cbase, n_chunks)], li_all)
        @pl.when(lax.axis_index("s") == 0)
        def _():
            pltpu.sync_copy(lang_hbm, lang_v)

        plsc.subcore_barrier()

        def start_gather(j, b):
            pltpu.async_copy(char_hbm.at[ci_all.at[j]], buf_c.at[b], gsem_c[b])
            pltpu.async_copy(lang_v.at[li_all.at[j]], buf_l.at[b], gsem_l[b])

        def wait_gather(j, b):
            pltpu.make_async_copy(char_hbm.at[ci_all.at[j]],
                                  buf_c.at[b], gsem_c[b]).wait()
            pltpu.make_async_copy(lang_v.at[li_all.at[j]],
                                  buf_l.at[b], gsem_l[b]).wait()

        def start_store(j, b):
            pltpu.async_copy(buf_o.at[b],
                             out_hbm.at[pl.ds(tbase + j * chunk, chunk)],
                             ssem[b])

        def wait_store(j, b):
            pltpu.make_async_copy(buf_o.at[b],
                                  out_hbm.at[pl.ds(tbase + j * chunk, chunk)],
                                  ssem[b]).wait()

        start_gather(0, 0)
        start_gather(1, 1)

        def body(g, carry):
            for b in range(2):
                j = g * 2 + b
                wait_gather(j, b)

                @pl.when(j >= 2)
                def _():
                    wait_store(j - 2, b)

                @plsc.parallel_loop(0, chunk, unroll=16)
                def add_row(r):
                    for p in range(D // LANES):
                        sl = pl.ds(p * LANES, LANES)
                        buf_o[b, r, sl] = buf_c[b, r, sl] + buf_l[b, r, sl]
                start_store(j, b)

                @pl.when(j + 2 < n_chunks)
                def _():
                    start_gather(j + 2, b)

            return carry

        lax.fori_loop(0, n_chunks // 2, body, 0)
        wait_store(n_chunks - 2, 0)
        wait_store(n_chunks - 1, 1)

    return k



def _fin_body(x_ref, i_ref, o_ref):
    cols, bb = o_ref.shape
    nq = cols // (2 * D)
    x3 = x_ref[...].reshape(bb, nq, 2 * D)
    ident = i_ref[...]
    for q in range(nq):
        oq = jax.lax.dot_general(
            x3[:, q, :], ident, (((0,), (0,)), ((), ())),
            preferred_element_type=jnp.float32)
        o_ref[pl.ds(q * 2 * D, 2 * D), :] = oq


def _finalize(out_pair, B, L):
    bb = 512
    cols = L * D
    rows = bb * L // 2
    return pl.pallas_call(
        _fin_body,
        grid=(B // bb,),
        in_specs=[pl.BlockSpec((rows, 2 * D), lambda i: (i, 0)),
                  pl.BlockSpec((bb, bb), lambda i: (0, 0))],
        out_specs=pl.BlockSpec((cols, bb), lambda i: (0, i)),
        out_shape=jax.ShapeDtypeStruct((cols, B), jnp.float32),
    )(out_pair, jnp.eye(bb, dtype=jnp.float32))



def kernel(char_indices, lang_indices, char_table, lang_table, W, b):
    B, L = char_indices.shape
    n = B * L
    char_proj, lang_proj = _project_tables(char_table, lang_table, W, b)
    chunk = 128
    ci = char_indices.reshape(n // chunk, chunk)
    li = lang_indices.reshape(n // chunk, chunk)
    gather_add = _make_gather_add(n, chunk=chunk)
    out = gather_add(char_proj, lang_proj, ci, li)
    out_t = _finalize(out.reshape(n // 2, 2 * D), B, L)
    return jnp.transpose(out_t.reshape(L, D, B), (2, 0, 1))

# --- scband reference (transcript-rebuilt; emitter-appended) ---
"""Pipeline reference for scband-embedding-22162031247904 (READ-ONLY COPY).

The authoritative reference and input builder live on the scoring server;
editing this copy changes nothing except your own understanding.
"""

import jax, jax.numpy as jnp
import numpy as np

EMBED_DIM = 64
NUM_IPA = 100000
NUM_LANGS = 1000
B, L = 16384, 50

def setup_inputs(seed: int = 0) -> dict:
    key = jax.random.key(seed)
    k1, k2, k3, k4, k5, k6 = jax.random.split(key, 6)
    char_indices = jax.random.randint(k1, (B, L), 0, NUM_IPA, dtype=jnp.int64 if jax.config.jax_enable_x64 else jnp.int32).astype(jnp.int32)
    lang_indices = jax.random.randint(k2, (B, L), 0, NUM_LANGS, dtype=jnp.int32)
    char_table = jax.random.normal(k3, (NUM_IPA, EMBED_DIM), dtype=jnp.float32)
    lang_table = jax.random.normal(k4, (NUM_LANGS, EMBED_DIM), dtype=jnp.float32)
    # nn.Linear(2*embedding_dim, embedding_dim): W [out, in], b [out]
    bound = 1.0 / np.sqrt(2 * EMBED_DIM)
    W = jax.random.uniform(k5, (EMBED_DIM, 2 * EMBED_DIM), minval=-bound, maxval=bound, dtype=jnp.float32)
    b = jax.random.uniform(k6, (EMBED_DIM,), minval=-bound, maxval=bound, dtype=jnp.float32)
    return {"char_indices": char_indices, "lang_indices": lang_indices,
            "char_table": char_table, "lang_table": lang_table, "W": W, "b": b}

def reference(char_indices, lang_indices, char_table, lang_table, W, b):
    chars_embedded = jnp.take(char_table, char_indices, axis=0)   # [B, L, D]
    lang_embedded = jnp.take(lang_table, lang_indices, axis=0)    # [B, L, D]
    cat = jnp.concatenate([chars_embedded, lang_embedded], axis=-1)  # [B, L, 2D]
    out = jnp.einsum('bld,od->blo', cat, W) + b                   # [B, L, D]
    return out

if __name__ == "__main__":
    import jax
    _d = setup_inputs()
    print(jax.jit(kernel)(*tuple(_d.values())))

</pallas_src>

<mosaic_0001>
#map = affine_map<(d0, d1) -> (0, 0)>
module attributes {stable_mosaic.version = 14 : i64} {
  func.func @k(%arg0: i32, %arg1: i32, %arg2: memref<100000x64xf32, #tpu.memory_space<hbm>>, %arg3: memref<1000x64xf32, #tpu.memory_space<hbm>>, %arg4: memref<6400x128xi32, #tpu.memory_space<hbm>>, %arg5: memref<6400x128xi32, #tpu.memory_space<hbm>>, %arg6: memref<819200x64xf32, #tpu.memory_space<hbm>>, %arg7: memref<200x128xi32, #tpu.memory_space<vmem>>, %arg8: memref<200x128xi32, #tpu.memory_space<vmem>>, %arg9: memref<2x128x64xf32, #tpu.memory_space<vmem>>, %arg10: memref<2x128x64xf32, #tpu.memory_space<vmem>>, %arg11: memref<2x128x64xf32, #tpu.memory_space<vmem>>, %arg12: memref<1000x64xf32, #tpu.memory_space<vmem_shared>>, %arg13: memref<!tpu.dma_semaphore, #tpu.memory_space<semaphore_mem>>, %arg14: memref<!tpu.dma_semaphore, #tpu.memory_space<semaphore_mem>>, %arg15: memref<!tpu.dma_semaphore, #tpu.memory_space<semaphore_mem>>, %arg16: memref<!tpu.dma_semaphore, #tpu.memory_space<semaphore_mem>>, %arg17: memref<!tpu.dma_semaphore, #tpu.memory_space<semaphore_mem>>, %arg18: memref<!tpu.dma_semaphore, #tpu.memory_space<semaphore_mem>>) attributes {dimension_semantics = [#tpu.dimension_semantics<core_parallel>, #tpu.dimension_semantics<subcore_parallel>], iteration_bounds = array<i64: 2, 16>, scalar_prefetch = 0 : i64, scratch_operands = 12 : i64, tpu.core_type = #tpu.core_type<sc_vector_subcore>, window_params = [{transform_indices = #map}, {transform_indices = #map}, {transform_indices = #map}, {transform_indices = #map}, {transform_indices = #map}]} {
    %mul3A = arith.constant 2 : i32
    %mul3A_0 = arith.muli %arg1, %mul3A : i32
    %add3A = arith.addi %mul3A_0, %arg0 : i32
    %mul3A_1 = arith.constant 200 : i32
    %mul3A_2 = arith.muli %add3A, %mul3A_1 : i32
    %mul3A_3 = arith.constant 128 : i32
    %mul3A_4 = arith.muli %mul3A_2, %mul3A_3 : i32
    "tpu.region"() ({
      %run_scoped3A = tpu.sem_alloc : memref<!tpu.dma_semaphore, #tpu.memory_space<semaphore_mem>>
      %dma_start3A_88 = arith.constant 0 : i32
      %dma_start3A_89 = tpu.memref_slice %arg4[%mul3A_2, %dma_start3A_88] : memref<6400x128xi32, #tpu.memory_space<hbm>> -> memref<200x128xi32, #tpu.memory_space<hbm>>
      %dma_start3A_90 = arith.constant 0 : i32
      %dma_start3A_91 = tpu.memref_slice %arg4[%mul3A_2, %dma_start3A_90] : memref<6400x128xi32, #tpu.memory_space<hbm>> -> memref<200x128xi32, #tpu.memory_space<hbm>>
      tpu.enqueue_dma source(%dma_start3A_91 : memref<200x128xi32, #tpu.memory_space<hbm>>) target(%arg7 : memref<200x128xi32, #tpu.memory_space<vmem>>) target_semaphore(%run_scoped3A : memref<!tpu.dma_semaphore, #tpu.memory_space<semaphore_mem>>)
      %dma_wait3A_92 = arith.constant 0 : i32
      %dma_wait3A_93 = tpu.memref_slice %arg4[%mul3A_2, %dma_wait3A_92] : memref<6400x128xi32, #tpu.memory_space<hbm>> -> memref<200x128xi32, #tpu.memory_space<hbm>>
      %dma_wait3A_94 = arith.constant 0 : i32
      %dma_wait3A_95 = tpu.memref_slice %arg4[%mul3A_2, %dma_wait3A_94] : memref<6400x128xi32, #tpu.memory_space<hbm>> -> memref<200x128xi32, #tpu.memory_space<hbm>>
      tpu.wait_dma2 semaphore(%run_scoped3A : memref<!tpu.dma_semaphore, #tpu.memory_space<semaphore_mem>>) src(%dma_wait3A_95 : memref<200x128xi32, #tpu.memory_space<hbm>>) dst(%arg7 : memref<200x128xi32, #tpu.memory_space<vmem>>)
      tpu.yield
    }) : () -> ()
    "tpu.region"() ({
      %run_scoped3A = tpu.sem_alloc : memref<!tpu.dma_semaphore, #tpu.memory_space<semaphore_mem>>
      %dma_start3A_88 = arith.constant 0 : i32
      %dma_start3A_89 = tpu.memref_slice %arg5[%mul3A_2, %dma_start3A_88] : memref<6400x128xi32, #tpu.memory_space<hbm>> -> memref<200x128xi32, #tpu.memory_space<hbm>>
      %dma_start3A_90 = arith.constant 0 : i32
      %dma_start3A_91 = tpu.memref_slice %arg5[%mul3A_2, %dma_start3A_90] : memref<6400x128xi32, #tpu.memory_space<hbm>> -> memref<200x128xi32, #tpu.memory_space<hbm>>
      tpu.enqueue_dma source(%dma_start3A_91 : memref<200x128xi32, #tpu.memory_space<hbm>>) target(%arg8 : memref<200x128xi32, #tpu.memory_space<vmem>>) target_semaphore(%run_scoped3A : memref<!tpu.dma_semaphore, #tpu.memory_space<semaphore_mem>>)
      %dma_wait3A_92 = arith.constant 0 : i32
      %dma_wait3A_93 = tpu.memref_slice %arg5[%mul3A_2, %dma_wait3A_92] : memref<6400x128xi32, #tpu.memory_space<hbm>> -> memref<200x128xi32, #tpu.memory_space<hbm>>
      %dma_wait3A_94 = arith.constant 0 : i32
      %dma_wait3A_95 = tpu.memref_slice %arg5[%mul3A_2, %dma_wait3A_94] : memref<6400x128xi32, #tpu.memory_space<hbm>> -> memref<200x128xi32, #tpu.memory_space<hbm>>
      tpu.wait_dma2 semaphore(%run_scoped3A : memref<!tpu.dma_semaphore, #tpu.memory_space<semaphore_mem>>) src(%dma_wait3A_95 : memref<200x128xi32, #tpu.memory_space<hbm>>) dst(%arg8 : memref<200x128xi32, #tpu.memory_space<vmem>>)
      tpu.yield
    }) : () -> ()
    %eq3A = arith.constant 0 : i32
    %eq3A_5 = arith.cmpi eq, %arg1, %eq3A : i32
    %convert_element_type3A = arith.extui %eq3A_5 : i1 to i32
    %cond3A = arith.constant 0 : i32
    %cond3A_6 = arith.cmpi ne, %convert_element_type3A, %cond3A : i32
    scf.if %cond3A_6 {
      "tpu.region"() ({
        %run_scoped3A = tpu.sem_alloc : memref<!tpu.dma_semaphore, #tpu.memory_space<semaphore_mem>>
        tpu.enqueue_dma source(%arg3 : memref<1000x64xf32, #tpu.memory_space<hbm>>) target(%arg12 : memref<1000x64xf32, #tpu.memory_space<vmem_shared>>) target_semaphore(%run_scoped3A : memref<!tpu.dma_semaphore, #tpu.memory_space<semaphore_mem>>)
        tpu.wait_dma2 semaphore(%run_scoped3A : memref<!tpu.dma_semaphore, #tpu.memory_space<semaphore_mem>>) src(%arg3 : memref<1000x64xf32, #tpu.memory_space<hbm>>) dst(%arg12 : memref<1000x64xf32, #tpu.memory_space<vmem_shared>>)
        tpu.yield
      }) : () -> ()
    } else {
    }
    %barrier3A = arith.constant 0 : index
    tpu.barrier barrier_id(%barrier3A)
    %dma_start3A = arith.constant 0 : i32
    %dma_start3A_7 = arith.constant 0 : i32
    %dma_start3A_8 = arith.constant 0 : i32
    %dma_start3A_9 = arith.constant 0 : i32
    %dma_start3A_10 = tpu.memref_slice %arg9[%dma_start3A_7, %dma_start3A_8, %dma_start3A_9] : memref<2x128x64xf32, #tpu.memory_space<vmem>> -> memref<1x128x64xf32, #tpu.memory_space<vmem>>
    %dma_start3A_11 = tpu.memref_squeeze %dma_start3A_10 : memref<1x128x64xf32, #tpu.memory_space<vmem>> -> memref<128x64xf32, #tpu.memory_space<vmem>>
    %dma_start3A_12 = arith.constant 0 : i32
    %dma_start3A_13 = tpu.memref_slice %arg7[%dma_start3A, %dma_start3A_12] : memref<200x128xi32, #tpu.memory_space<vmem>> -> memref<1x128xi32, #tpu.memory_space<vmem>>
    %dma_start3A_14 = tpu.memref_squeeze %dma_start3A_13 : memref<1x128xi32, #tpu.memory_space<vmem>> -> memref<128xi32, #tpu.memory_space<vmem>>
    %dma_start3A_15 = arith.constant 0 : i32
    %dma_start3A_16 = arith.constant 0 : i32
    %dma_start3A_17 = tpu.memref_slice %arg2[%dma_start3A_15, %dma_start3A_16] : memref<100000x64xf32, #tpu.memory_space<hbm>> -> memref<100000x64xf32, #tpu.memory_space<hbm>>
    tpu.enqueue_indirect_dma source(%dma_start3A_17 : memref<100000x64xf32, #tpu.memory_space<hbm>>) target(%dma_start3A_11 : memref<128x64xf32, #tpu.memory_space<vmem>>) offsets(%dma_start3A_14 : memref<128xi32, #tpu.memory_space<vmem>>) semaphore(%arg13 : memref<!tpu.dma_semaphore, #tpu.memory_space<semaphore_mem>>)
    %dma_start3A_18 = arith.constant 0 : i32
    %dma_start3A_19 = arith.constant 0 : i32
    %dma_start3A_20 = arith.constant 0 : i32
    %dma_start3A_21 = arith.constant 0 : i32
    %dma_start3A_22 = tpu.memref_slice %arg10[%dma_start3A_19, %dma_start3A_20, %dma_start3A_21] : memref<2x128x64xf32, #tpu.memory_space<vmem>> -> memref<1x128x64xf32, #tpu.memory_space<vmem>>
    %dma_start3A_23 = tpu.memref_squeeze %dma_start3A_22 : memref<1x128x64xf32, #tpu.memory_space<vmem>> -> memref<128x64xf32, #tpu.memory_space<vmem>>
    %dma_start3A_24 = arith.constant 0 : i32
    %dma_start3A_25 = tpu.memref_slice %arg8[%dma_start3A_18, %dma_start3A_24] : memref<200x128xi32, #tpu.memory_space<vmem>> -> memref<1x128xi32, #tpu.memory_space<vmem>>
    %dma_start3A_26 = tpu.memref_squeeze %dma_start3A_25 : memref<1x128xi32, #tpu.memory_space<vmem>> -> memref<128xi32, #tpu.memory_space<vmem>>
    %dma_start3A_27 = arith.constant 0 : i32
    %dma_start3A_28 = arith.constant 0 : i32
    %dma_start3A_29 = tpu.memref_slice %arg12[%dma_start3A_27, %dma_start3A_28] : memref<1000x64xf32, #tpu.memory_space<vmem_shared>> -> memref<1000x64xf32, #tpu.memory_space<vmem_shared>>
    tpu.enqueue_indirect_dma source(%dma_start3A_29 : memref<1000x64xf32, #tpu.memory_space<vmem_shared>>) target(%dma_start3A_23 : memref<128x64xf32, #tpu.memory_space<vmem>>) offsets(%dma_start3A_26 : memref<128xi32, #tpu.memory_space<vmem>>) semaphore(%arg15 : memref<!tpu.dma_semaphore, #tpu.memory_space<semaphore_mem>>)
    %dma_start3A_30 = arith.constant 1 : i32
    %dma_start3A_31 = arith.constant 1 : i32
    %dma_start3A_32 = arith.constant 0 : i32
    %dma_start3A_33 = arith.constant 0 : i32
    %dma_start3A_34 = tpu.memref_slice %arg9[%dma_start3A_31, %dma_start3A_32, %dma_start3A_33] : memref<2x128x64xf32, #tpu.memory_space<vmem>> -> memref<1x128x64xf32, #tpu.memory_space<vmem>>
    %dma_start3A_35 = tpu.memref_squeeze %dma_start3A_34 : memref<1x128x64xf32, #tpu.memory_space<vmem>> -> memref<128x64xf32, #tpu.memory_space<vmem>>
    %dma_start3A_36 = arith.constant 0 : i32
    %dma_start3A_37 = tpu.memref_slice %arg7[%dma_start3A_30, %dma_start3A_36] : memref<200x128xi32, #tpu.memory_space<vmem>> -> memref<1x128xi32, #tpu.memory_space<vmem>>
    %dma_start3A_38 = tpu.memref_squeeze %dma_start3A_37 : memref<1x128xi32, #tpu.memory_space<vmem>> -> memref<128xi32, #tpu.memory_space<vmem>>
    %dma_start3A_39 = arith.constant 0 : i32
    %dma_start3A_40 = arith.constant 0 : i32
    %dma_start3A_41 = tpu.memref_slice %arg2[%dma_start3A_39, %dma_start3A_40] : memref<100000x64xf32, #tpu.memory_space<hbm>> -> memref<100000x64xf32, #tpu.memory_space<hbm>>
    tpu.enqueue_indirect_dma source(%dma_start3A_41 : memref<100000x64xf32, #tpu.memory_space<hbm>>) target(%dma_start3A_35 : memref<128x64xf32, #tpu.memory_space<vmem>>) offsets(%dma_start3A_38 : memref<128xi32, #tpu.memory_space<vmem>>) semaphore(%arg14 : memref<!tpu.dma_semaphore, #tpu.memory_space<semaphore_mem>>)
    %dma_start3A_42 = arith.constant 1 : i32
    %dma_start3A_43 = arith.constant 1 : i32
    %dma_start3A_44 = arith.constant 0 : i32
    %dma_start3A_45 = arith.constant 0 : i32
    %dma_start3A_46 = tpu.memref_slice %arg10[%dma_start3A_43, %dma_start3A_44, %dma_start3A_45] : memref<2x128x64xf32, #tpu.memory_space<vmem>> -> memref<1x128x64xf32, #tpu.memory_space<vmem>>
    %dma_start3A_47 = tpu.memref_squeeze %dma_start3A_46 : memref<1x128x64xf32, #tpu.memory_space<vmem>> -> memref<128x64xf32, #tpu.memory_space<vmem>>
    %dma_start3A_48 = arith.constant 0 : i32
    %dma_start3A_49 = tpu.memref_slice %arg8[%dma_start3A_42, %dma_start3A_48] : memref<200x128xi32, #tpu.memory_space<vmem>> -> memref<1x128xi32, #tpu.memory_space<vmem>>
    %dma_start3A_50 = tpu.memref_squeeze %dma_start3A_49 : memref<1x128xi32, #tpu.memory_space<vmem>> -> memref<128xi32, #tpu.memory_space<vmem>>
    %dma_start3A_51 = arith.constant 0 : i32
    %dma_start3A_52 = arith.constant 0 : i32
    %dma_start3A_53 = tpu.memref_slice %arg12[%dma_start3A_51, %dma_start3A_52] : memref<1000x64xf32, #tpu.memory_space<vmem_shared>> -> memref<1000x64xf32, #tpu.memory_space<vmem_shared>>
    tpu.enqueue_indirect_dma source(%dma_start3A_53 : memref<1000x64xf32, #tpu.memory_space<vmem_shared>>) target(%dma_start3A_47 : memref<128x64xf32, #tpu.memory_space<vmem>>) offsets(%dma_start3A_50 : memref<128xi32, #tpu.memory_space<vmem>>) semaphore(%arg16 : memref<!tpu.dma_semaphore, #tpu.memory_space<semaphore_mem>>)
    %scan3A = arith.constant 0 : i32
    %scan3A_54 = arith.constant 0 : i32
    %scan3A_55 = arith.constant 100 : i32
    %scan3A_56 = arith.addi %scan3A_54, %scan3A_55 : i32
    %scan3A_57 = arith.constant 1 : i32
    scf.for %scan3A_88 = %scan3A_54 to %scan3A_56 step %scan3A_57  : i32 {
      %mul3A_89 = arith.constant 2 : i32
      %mul3A_90 = arith.muli %scan3A_88, %mul3A_89 : i32
      %add3A_91 = arith.constant 0 : i32
      %add3A_92 = arith.addi %mul3A_90, %add3A_91 : i32
      %dma_wait3A_93 = arith.constant 0 : i32
      %dma_wait3A_94 = arith.constant 0 : i32
      %dma_wait3A_95 = arith.constant 0 : i32
      %dma_wait3A_96 = tpu.memref_slice %arg9[%dma_wait3A_93, %dma_wait3A_94, %dma_wait3A_95] : memref<2x128x64xf32, #tpu.memory_space<vmem>> -> memref<1x128x64xf32, #tpu.memory_space<vmem>>
      %dma_wait3A_97 = tpu.memref_squeeze %dma_wait3A_96 : memref<1x128x64xf32, #tpu.memory_space<vmem>> -> memref<128x64xf32, #tpu.memory_space<vmem>>
      %dma_wait3A_98 = arith.constant 0 : i32
      %dma_wait3A_99 = tpu.memref_slice %arg7[%add3A_92, %dma_wait3A_98] : memref<200x128xi32, #tpu.memory_space<vmem>> -> memref<1x128xi32, #tpu.memory_space<vmem>>
      %dma_wait3A_100 = tpu.memref_squeeze %dma_wait3A_99 : memref<1x128xi32, #tpu.memory_space<vmem>> -> memref<128xi32, #tpu.memory_space<vmem>>
      %dma_wait3A_101 = arith.constant 0 : i32
      %dma_wait3A_102 = arith.constant 0 : i32
      %dma_wait3A_103 = tpu.memref_slice %arg2[%dma_wait3A_101, %dma_wait3A_102] : memref<100000x64xf32, #tpu.memory_space<hbm>> -> memref<100000x64xf32, #tpu.memory_space<hbm>>
      tpu.wait_indirect_dma semaphore(%arg13 : memref<!tpu.dma_semaphore, #tpu.memory_space<semaphore_mem>>) src(%dma_wait3A_103 : memref<100000x64xf32, #tpu.memory_space<hbm>>) dst(%dma_wait3A_97 : memref<128x64xf32, #tpu.memory_space<vmem>>)
      %dma_wait3A_104 = arith.constant 0 : i32
      %dma_wait3A_105 = arith.constant 0 : i32
      %dma_wait3A_106 = arith.constant 0 : i32
      %dma_wait3A_107 = tpu.memref_slice %arg10[%dma_wait3A_104, %dma_wait3A_105, %dma_wait3A_106] : memref<2x128x64xf32, #tpu.memory_space<vmem>> -> memref<1x128x64xf32, #tpu.memory_space<vmem>>
      %dma_wait3A_108 = tpu.memref_squeeze %dma_wait3A_107 : memref<1x128x64xf32, #tpu.memory_space<vmem>> -> memref<128x64xf32, #tpu.memory_space<vmem>>
      %dma_wait3A_109 = arith.constant 0 : i32
      %dma_wait3A_110 = tpu.memref_slice %arg8[%add3A_92, %dma_wait3A_109] : memref<200x128xi32, #tpu.memory_space<vmem>> -> memref<1x128xi32, #tpu.memory_space<vmem>>
      %dma_wait3A_111 = tpu.memref_squeeze %dma_wait3A_110 : memref<1x128xi32, #tpu.memory_space<vmem>> -> memref<128xi32, #tpu.memory_space<vmem>>
      %dma_wait3A_112 = arith.constant 0 : i32
      %dma_wait3A_113 = arith.constant 0 : i32
      %dma_wait3A_114 = tpu.memref_slice %arg12[%dma_wait3A_112, %dma_wait3A_113] : memref<1000x64xf32, #tpu.memory_space<vmem_shared>> -> memref<1000x64xf32, #tpu.memory_space<vmem_shared>>
      tpu.wait_indirect_dma semaphore(%arg15 : memref<!tpu.dma_semaphore, #tpu.memory_space<semaphore_mem>>) src(%dma_wait3A_114 : memref<1000x64xf32, #tpu.memory_space<vmem_shared>>) dst(%dma_wait3A_108 : memref<128x64xf32, #tpu.memory_space<vmem>>)
      %ge3A = arith.constant 2 : i32
      %ge3A_115 = arith.cmpi sge, %add3A_92, %ge3A : i32
      %convert_element_type3A_116 = arith.extui %ge3A_115 : i1 to i32
      %cond3A_117 = arith.constant 0 : i32
      %cond3A_118 = arith.cmpi ne, %convert_element_type3A_116, %cond3A_117 : i32
      scf.if %cond3A_118 {
        %sub3A = arith.constant 2 : i32
        %sub3A_200 = arith.subi %add3A_92, %sub3A : i32
        %mul3A_201 = arith.constant 128 : i32
        %mul3A_202 = arith.muli %sub3A_200, %mul3A_201 : i32
        %add3A_203 = arith.addi %mul3A_4, %mul3A_202 : i32
        %dma_wait3A_204 = arith.constant 0 : i32
        %dma_wait3A_205 = arith.constant 0 : i32
        %dma_wait3A_206 = arith.constant 0 : i32
        %dma_wait3A_207 = tpu.memref_slice %arg11[%dma_wait3A_204, %dma_wait3A_205, %dma_wait3A_206] : memref<2x128x64xf32, #tpu.memory_space<vmem>> -> memref<1x128x64xf32, #tpu.memory_space<vmem>>
        %dma_wait3A_208 = tpu.memref_squeeze %dma_wait3A_207 : memref<1x128x64xf32, #tpu.memory_space<vmem>> -> memref<128x64xf32, #tpu.memory_space<vmem>>
        %dma_wait3A_209 = arith.constant 0 : i32
        %dma_wait3A_210 = tpu.memref_slice %arg6[%add3A_203, %dma_wait3A_209] : memref<819200x64xf32, #tpu.memory_space<hbm>> -> memref<128x64xf32, #tpu.memory_space<hbm>>
        %dma_wait3A_211 = arith.constant 0 : i32
        %dma_wait3A_212 = tpu.memref_slice %arg6[%add3A_203, %dma_wait3A_211] : memref<819200x64xf32, #tpu.memory_space<hbm>> -> memref<128x64xf32, #tpu.memory_space<hbm>>
        %dma_wait3A_213 = arith.constant 0 : i32
        %dma_wait3A_214 = arith.constant 0 : i32
        %dma_wait3A_215 = tpu.memref_slice %arg11[%dma_wait3A_204, %dma_wait3A_213, %dma_wait3A_214] : memref<2x128x64xf32, #tpu.memory_space<vmem>> -> memref<1x128x64xf32, #tpu.memory_space<vmem>>
        %dma_wait3A_216 = tpu.memref_squeeze %dma_wait3A_215 : memref<1x128x64xf32, #tpu.memory_space<vmem>> -> memref<128x64xf32, #tpu.memory_space<vmem>>
        tpu.wait_dma2 semaphore(%arg17 : memref<!tpu.dma_semaphore, #tpu.memory_space<semaphore_mem>>) src(%dma_wait3A_216 : memref<128x64xf32, #tpu.memory_space<vmem>>) dst(%dma_wait3A_212 : memref<128x64xf32, #tpu.memory_space<hbm>>)
      } else {
      }
      %parallel_loop3A = arith.constant 0 : i32
      %parallel_loop3A_119 = arith.constant 128 : i32
      %parallel_loop3A_120 = arith.constant 1 : i32
      scf.for %parallel_loop3A_200 = %parallel_loop3A to %parallel_loop3A_119 step %parallel_loop3A_120  : i32 {
        %parallel_loop3A_201 = arith.constant 0 : i32
        %parallel_loop3A_202 = arith.index_cast %parallel_loop3A_201 : i32 to index
        %parallel_loop3A_203 = arith.index_cast %parallel_loop3A_200 : i32 to index
        %parallel_loop3A_204 = arith.constant 0 : index
        %parallel_loop3A_205 = tpu.vector_load %arg9[%parallel_loop3A_202, %parallel_loop3A_203, %parallel_loop3A_204] {strides = array<i32>} : memref<2x128x64xf32, #tpu.memory_space<vmem>>, vector<1x1x16xf32>,
        %parallel_loop3A_206 = vector.shape_cast %parallel_loop3A_205 : vector<1x1x16xf32> to vector<16xf32>
        %parallel_loop3A_207 = arith.constant 0 : i32
        %parallel_loop3A_208 = arith.index_cast %parallel_loop3A_207 : i32 to index
        %parallel_loop3A_209 = arith.index_cast %parallel_loop3A_200 : i32 to index
        %parallel_loop3A_210 = arith.constant 0 : index
        %parallel_loop3A_211 = tpu.vector_load %arg10[%parallel_loop3A_208, %parallel_loop3A_209, %parallel_loop3A_210] {strides = array<i32>} : memref<2x128x64xf32, #tpu.memory_space<vmem>>, vector<1x1x16xf32>,
        %parallel_loop3A_212 = vector.shape_cast %parallel_loop3A_211 : vector<1x1x16xf32> to vector<16xf32>
        %parallel_loop3A_213 = arith.addf %parallel_loop3A_206, %parallel_loop3A_212 : vector<16xf32>
        %parallel_loop3A_214 = arith.constant 0 : i32
        %parallel_loop3A_215 = arith.index_cast %parallel_loop3A_214 : i32 to index
        %parallel_loop3A_216 = arith.index_cast %parallel_loop3A_200 : i32 to index
        %parallel_loop3A_217 = arith.constant 0 : index
        %parallel_loop3A_218 = tpu.vector_load %arg11[%parallel_loop3A_215, %parallel_loop3A_216, %parallel_loop3A_217] {strides = array<i32>} : memref<2x128x64xf32, #tpu.memory_space<vmem>>, vector<1x1x16xf32>,
        %parallel_loop3A_219 = vector.shape_cast %parallel_loop3A_218 : vector<1x1x16xf32> to vector<16xf32>
        %parallel_loop3A_220 = vector.shape_cast %parallel_loop3A_213 : vector<16xf32> to vector<1x1x16xf32>
        tpu.vector_store %arg11[%parallel_loop3A_215, %parallel_loop3A_216, %parallel_loop3A_217], %parallel_loop3A_220 {strides = array<i32>} : memref<2x128x64xf32, #tpu.memory_space<vmem>>, vector<1x1x16xf32>,
        %parallel_loop3A_221 = arith.constant 0 : i32
        %parallel_loop3A_222 = arith.index_cast %parallel_loop3A_221 : i32 to index
        %parallel_loop3A_223 = arith.index_cast %parallel_loop3A_200 : i32 to index
        %parallel_loop3A_224 = arith.constant 16 : index
        %parallel_loop3A_225 = tpu.vector_load %arg9[%parallel_loop3A_222, %parallel_loop3A_223, %parallel_loop3A_224] {strides = array<i32>} : memref<2x128x64xf32, #tpu.memory_space<vmem>>, vector<1x1x16xf32>,
        %parallel_loop3A_226 = vector.shape_cast %parallel_loop3A_225 : vector<1x1x16xf32> to vector<16xf32>
        %parallel_loop3A_227 = arith.constant 0 : i32
        %parallel_loop3A_228 = arith.index_cast %parallel_loop3A_227 : i32 to index
        %parallel_loop3A_229 = arith.index_cast %parallel_loop3A_200 : i32 to index
        %parallel_loop3A_230 = arith.constant 16 : index
        %parallel_loop3A_231 = tpu.vector_load %arg10[%parallel_loop3A_228, %parallel_loop3A_229, %parallel_loop3A_230] {strides = array<i32>} : memref<2x128x64xf32, #tpu.memory_space<vmem>>, vector<1x1x16xf32>,
        %parallel_loop3A_232 = vector.shape_cast %parallel_loop3A_231 : vector<1x1x16xf32> to vector<16xf32>
        %parallel_loop3A_233 = arith.addf %parallel_loop3A_226, %parallel_loop3A_232 : vector<16xf32>
        %parallel_loop3A_234 = arith.constant 0 : i32
        %parallel_loop3A_235 = arith.index_cast %parallel_loop3A_234 : i32 to index
        %parallel_loop3A_236 = arith.index_cast %parallel_loop3A_200 : i32 to index
        %parallel_loop3A_237 = arith.constant 16 : index
        %parallel_loop3A_238 = tpu.vector_load %arg11[%parallel_loop3A_235, %parallel_loop3A_236, %parallel_loop3A_237] {strides = array<i32>} : memref<2x128x64xf32, #tpu.memory_space<vmem>>, vector<1x1x16xf32>,
        %parallel_loop3A_239 = vector.shape_cast %parallel_loop3A_238 : vector<1x1x16xf32> to vector<16xf32>
        %parallel_loop3A_240 = vector.shape_cast %parallel_loop3A_233 : vector<16xf32> to vector<1x1x16xf32>
        tpu.vector_store %arg11[%parallel_loop3A_235, %parallel_loop3A_236, %parallel_loop3A_237], %parallel_loop3A_240 {strides = array<i32>} : memref<2x128x64xf32, #tpu.memory_space<vmem>>, vector<1x1x16xf32>,
        %parallel_loop3A_241 = arith.constant 0 : i32
        %parallel_loop3A_242 = arith.index_cast %parallel_loop3A_241 : i32 to index
        %parallel_loop3A_243 = arith.index_cast %parallel_loop3A_200 : i32 to index
        %parallel_loop3A_244 = arith.constant 32 : index
        %parallel_loop3A_245 = tpu.vector_load %arg9[%parallel_loop3A_242, %parallel_loop3A_243, %parallel_loop3A_244] {strides = array<i32>} : memref<2x128x64xf32, #tpu.memory_space<vmem>>, vector<1x1x16xf32>,
        %parallel_loop3A_246 = vector.shape_cast %parallel_loop3A_245 : vector<1x1x16xf32> to vector<16xf32>
        %parallel_loop3A_247 = arith.constant 0 : i32
        %parallel_loop3A_248 = arith.index_cast %parallel_loop3A_247 : i32 to index
        %parallel_loop3A_249 = arith.index_cast %parallel_loop3A_200 : i32 to index
        %parallel_loop3A_250 = arith.constant 32 : index
        %parallel_loop3A_251 = tpu.vector_load %arg10[%parallel_loop3A_248, %parallel_loop3A_249, %parallel_loop3A_250] {strides = array<i32>} : memref<2x128x64xf32, #tpu.memory_space<vmem>>, vector<1x1x16xf32>,
        %parallel_loop3A_252 = vector.shape_cast %parallel_loop3A_251 : vector<1x1x16xf32> to vector<16xf32>
        %parallel_loop3A_253 = arith.addf %parallel_loop3A_246, %parallel_loop3A_252 : vector<16xf32>
        %parallel_loop3A_254 = arith.constant 0 : i32
        %parallel_loop3A_255 = arith.index_cast %parallel_loop3A_254 : i32 to index
        %parallel_loop3A_256 = arith.index_cast %parallel_loop3A_200 : i32 to index
        %parallel_loop3A_257 = arith.constant 32 : index
        %parallel_loop3A_258 = tpu.vector_load %arg11[%parallel_loop3A_255, %parallel_loop3A_256, %parallel_loop3A_257] {strides = array<i32>} : memref<2x128x64xf32, #tpu.memory_space<vmem>>, vector<1x1x16xf32>,
        %parallel_loop3A_259 = vector.shape_cast %parallel_loop3A_258 : vector<1x1x16xf32> to vector<16xf32>
        %parallel_loop3A_260 = vector.shape_cast %parallel_loop3A_253 : vector<16xf32> to vector<1x1x16xf32>
        tpu.vector_store %arg11[%parallel_loop3A_255, %parallel_loop3A_256, %parallel_loop3A_257], %parallel_loop3A_260 {strides = array<i32>} : memref<2x128x64xf32, #tpu.memory_space<vmem>>, vector<1x1x16xf32>,
        %parallel_loop3A_261 = arith.constant 0 : i32
        %parallel_loop3A_262 = arith.index_cast %parallel_loop3A_261 : i32 to index
        %parallel_loop3A_263 = arith.index_cast %parallel_loop3A_200 : i32 to index
        %parallel_loop3A_264 = arith.constant 48 : index
        %parallel_loop3A_265 = tpu.vector_load %arg9[%parallel_loop3A_262, %parallel_loop3A_263, %parallel_loop3A_264] {strides = array<i32>} : memref<2x128x64xf32, #tpu.memory_space<vmem>>, vector<1x1x16xf32>,
        %parallel_loop3A_266 = vector.shape_cast %parallel_loop3A_265 : vector<1x1x16xf32> to vector<16xf32>
        %parallel_loop3A_267 = arith.constant 0 : i32
        %parallel_loop3A_268 = arith.index_cast %parallel_loop3A_267 : i32 to index
        %parallel_loop3A_269 = arith.index_cast %parallel_loop3A_200 : i32 to index
        %parallel_loop3A_270 = arith.constant 48 : index
        %parallel_loop3A_271 = tpu.vector_load %arg10[%parallel_loop3A_268, %parallel_loop3A_269, %parallel_loop3A_270] {strides = array<i32>} : memref<2x128x64xf32, #tpu.memory_space<vmem>>, vector<1x1x16xf32>,
        %parallel_loop3A_272 = vector.shape_cast %parallel_loop3A_271 : vector<1x1x16xf32> to vector<16xf32>
        %parallel_loop3A_273 = arith.addf %parallel_loop3A_266, %parallel_loop3A_272 : vector<16xf32>
        %parallel_loop3A_274 = arith.constant 0 : i32
        %parallel_loop3A_275 = arith.index_cast %parallel_loop3A_274 : i32 to index
        %parallel_loop3A_276 = arith.index_cast %parallel_loop3A_200 : i32 to index
        %parallel_loop3A_277 = arith.constant 48 : index
        %parallel_loop3A_278 = tpu.vector_load %arg11[%parallel_loop3A_275, %parallel_loop3A_276, %parallel_loop3A_277] {strides = array<i32>} : memref<2x128x64xf32, #tpu.memory_space<vmem>>, vector<1x1x16xf32>,
        %parallel_loop3A_279 = vector.shape_cast %parallel_loop3A_278 : vector<1x1x16xf32> to vector<16xf32>
        %parallel_loop3A_280 = vector.shape_cast %parallel_loop3A_273 : vector<16xf32> to vector<1x1x16xf32>
        tpu.vector_store %arg11[%parallel_loop3A_275, %parallel_loop3A_276, %parallel_loop3A_277], %parallel_loop3A_280 {strides = array<i32>} : memref<2x128x64xf32, #tpu.memory_space<vmem>>, vector<1x1x16xf32>,
      } {sc.loop_unroll_factor = 16 : i64, sc.parallel_access}
      %mul3A_121 = arith.constant 128 : i32
      %mul3A_122 = arith.muli %add3A_92, %mul3A_121 : i32
      %add3A_123 = arith.addi %mul3A_4, %mul3A_122 : i32
      %dma_start3A_124 = arith.constant 0 : i32
      %dma_start3A_125 = arith.constant 0 : i32
      %dma_start3A_126 = arith.constant 0 : i32
      %dma_start3A_127 = tpu.memref_slice %arg11[%dma_start3A_124, %dma_start3A_125, %dma_start3A_126] : memref<2x128x64xf32, #tpu.memory_space<vmem>> -> memref<1x128x64xf32, #tpu.memory_space<vmem>>
      %dma_start3A_128 = tpu.memref_squeeze %dma_start3A_127 : memref<1x128x64xf32, #tpu.memory_space<vmem>> -> memref<128x64xf32, #tpu.memory_space<vmem>>
      %dma_start3A_129 = arith.constant 0 : i32
      %dma_start3A_130 = tpu.memref_slice %arg6[%add3A_123, %dma_start3A_129] : memref<819200x64xf32, #tpu.memory_space<hbm>> -> memref<128x64xf32, #tpu.memory_space<hbm>>
      %dma_start3A_131 = arith.constant 0 : i32
      %dma_start3A_132 = tpu.memref_slice %arg6[%add3A_123, %dma_start3A_131] : memref<819200x64xf32, #tpu.memory_space<hbm>> -> memref<128x64xf32, #tpu.memory_space<hbm>>
      %dma_start3A_133 = arith.constant 0 : i32
      %dma_start3A_134 = arith.constant 0 : i32
      %dma_start3A_135 = tpu.memref_slice %arg11[%dma_start3A_124, %dma_start3A_133, %dma_start3A_134] : memref<2x128x64xf32, #tpu.memory_space<vmem>> -> memref<1x128x64xf32, #tpu.memory_space<vmem>>
      %dma_start3A_136 = tpu.memref_squeeze %dma_start3A_135 : memref<1x128x64xf32, #tpu.memory_space<vmem>> -> memref<128x64xf32, #tpu.memory_space<vmem>>
      tpu.enqueue_dma source(%dma_start3A_136 : memref<128x64xf32, #tpu.memory_space<vmem>>) target(%dma_start3A_132 : memref<128x64xf32, #tpu.memory_space<hbm>>) target_semaphore(%arg17 : memref<!tpu.dma_semaphore, #tpu.memory_space<semaphore_mem>>)
      %add3A_137 = arith.constant 2 : i32
      %add3A_138 = arith.addi %add3A_92, %add3A_137 : i32
      %lt3A = arith.constant 200 : i32
      %lt3A_139 = arith.cmpi slt, %add3A_138, %lt3A : i32
      %convert_element_type3A_140 = arith.extui %lt3A_139 : i1 to i32
      %cond3A_141 = arith.constant 0 : i32
      %cond3A_142 = arith.cmpi ne, %convert_element_type3A_140, %cond3A_141 : i32
      scf.if %cond3A_142 {
        %add3A_200 = arith.constant 2 : i32
        %add3A_201 = arith.addi %add3A_92, %add3A_200 : i32
        %dma_start3A_202 = arith.constant 0 : i32
        %dma_start3A_203 = arith.constant 0 : i32
        %dma_start3A_204 = arith.constant 0 : i32
        %dma_start3A_205 = tpu.memref_slice %arg9[%dma_start3A_202, %dma_start3A_203, %dma_start3A_204] : memref<2x128x64xf32, #tpu.memory_space<vmem>> -> memref<1x128x64xf32, #tpu.memory_space<vmem>>
        %dma_start3A_206 = tpu.memref_squeeze %dma_start3A_205 : memref<1x128x64xf32, #tpu.memory_space<vmem>> -> memref<128x64xf32, #tpu.memory_space<vmem>>
        %dma_start3A_207 = arith.constant 0 : i32
        %dma_start3A_208 = tpu.memref_slice %arg7[%add3A_201, %dma_start3A_207] : memref<200x128xi32, #tpu.memory_space<vmem>> -> memref<1x128xi32, #tpu.memory_space<vmem>>
        %dma_start3A_209 = tpu.memref_squeeze %dma_start3A_208 : memref<1x128xi32, #tpu.memory_space<vmem>> -> memref<128xi32, #tpu.memory_space<vmem>>
        %dma_start3A_210 = arith.constant 0 : i32
        %dma_start3A_211 = arith.constant 0 : i32
        %dma_start3A_212 = tpu.memref_slice %arg2[%dma_start3A_210, %dma_start3A_211] : memref<100000x64xf32, #tpu.memory_space<hbm>> -> memref<100000x64xf32, #tpu.memory_space<hbm>>
        tpu.enqueue_indirect_dma source(%dma_start3A_212 : memref<100000x64xf32, #tpu.memory_space<hbm>>) target(%dma_start3A_206 : memref<128x64xf32, #tpu.memory_space<vmem>>) offsets(%dma_start3A_209 : memref<128xi32, #tpu.memory_space<vmem>>) semaphore(%arg13 : memref<!tpu.dma_semaphore, #tpu.memory_space<semaphore_mem>>)
        %dma_start3A_213 = arith.constant 0 : i32
        %dma_start3A_214 = arith.constant 0 : i32
        %dma_start3A_215 = arith.constant 0 : i32
        %dma_start3A_216 = tpu.memref_slice %arg10[%dma_start3A_213, %dma_start3A_214, %dma_start3A_215] : memref<2x128x64xf32, #tpu.memory_space<vmem>> -> memref<1x128x64xf32, #tpu.memory_space<vmem>>
        %dma_start3A_217 = tpu.memref_squeeze %dma_start3A_216 : memref<1x128x64xf32, #tpu.memory_space<vmem>> -> memref<128x64xf32, #tpu.memory_space<vmem>>
        %dma_start3A_218 = arith.constant 0 : i32
        %dma_start3A_219 = tpu.memref_slice %arg8[%add3A_201, %dma_start3A_218] : memref<200x128xi32, #tpu.memory_space<vmem>> -> memref<1x128xi32, #tpu.memory_space<vmem>>
        %dma_start3A_220 = tpu.memref_squeeze %dma_start3A_219 : memref<1x128xi32, #tpu.memory_space<vmem>> -> memref<128xi32, #tpu.memory_space<vmem>>
        %dma_start3A_221 = arith.constant 0 : i32
        %dma_start3A_222 = arith.constant 0 : i32
        %dma_start3A_223 = tpu.memref_slice %arg12[%dma_start3A_221, %dma_start3A_222] : memref<1000x64xf32, #tpu.memory_space<vmem_shared>> -> memref<1000x64xf32, #tpu.memory_space<vmem_shared>>
        tpu.enqueue_indirect_dma source(%dma_start3A_223 : memref<1000x64xf32, #tpu.memory_space<vmem_shared>>) target(%dma_start3A_217 : memref<128x64xf32, #tpu.memory_space<vmem>>) offsets(%dma_start3A_220 : memref<128xi32, #tpu.memory_space<vmem>>) semaphore(%arg15 : memref<!tpu.dma_semaphore, #tpu.memory_space<semaphore_mem>>)
      } else {
      }
      %mul3A_143 = arith.constant 2 : i32
      %mul3A_144 = arith.muli %scan3A_88, %mul3A_143 : i32
      %add3A_145 = arith.constant 1 : i32
      %add3A_146 = arith.addi %mul3A_144, %add3A_145 : i32
      %dma_wait3A_147 = arith.constant 1 : i32
      %dma_wait3A_148 = arith.constant 0 : i32
      %dma_wait3A_149 = arith.constant 0 : i32
      %dma_wait3A_150 = tpu.memref_slice %arg9[%dma_wait3A_147, %dma_wait3A_148, %dma_wait3A_149] : memref<2x128x64xf32, #tpu.memory_space<vmem>> -> memref<1x128x64xf32, #tpu.memory_space<vmem>>
      %dma_wait3A_151 = tpu.memref_squeeze %dma_wait3A_150 : memref<1x128x64xf32, #tpu.memory_space<vmem>> -> memref<128x64xf32, #tpu.memory_space<vmem>>
      %dma_wait3A_152 = arith.constant 0 : i32
      %dma_wait3A_153 = tpu.memref_slice %arg7[%add3A_146, %dma_wait3A_152] : memref<200x128xi32, #tpu.memory_space<vmem>> -> memref<1x128xi32, #tpu.memory_space<vmem>>
      %dma_wait3A_154 = tpu.memref_squeeze %dma_wait3A_153 : memref<1x128xi32, #tpu.memory_space<vmem>> -> memref<128xi32, #tpu.memory_space<vmem>>
      %dma_wait3A_155 = arith.constant 0 : i32
      %dma_wait3A_156 = arith.constant 0 : i32
      %dma_wait3A_157 = tpu.memref_slice %arg2[%dma_wait3A_155, %dma_wait3A_156] : memref<100000x64xf32, #tpu.memory_space<hbm>> -> memref<100000x64xf32, #tpu.memory_space<hbm>>
      tpu.wait_indirect_dma semaphore(%arg14 : memref<!tpu.dma_semaphore, #tpu.memory_space<semaphore_mem>>) src(%dma_wait3A_157 : memref<100000x64xf32, #tpu.memory_space<hbm>>) dst(%dma_wait3A_151 : memref<128x64xf32, #tpu.memory_space<vmem>>)
      %dma_wait3A_158 = arith.constant 1 : i32
      %dma_wait3A_159 = arith.constant 0 : i32
      %dma_wait3A_160 = arith.constant 0 : i32
      %dma_wait3A_161 = tpu.memref_slice %arg10[%dma_wait3A_158, %dma_wait3A_159, %dma_wait3A_160] : memref<2x128x64xf32, #tpu.memory_space<vmem>> -> memref<1x128x64xf32, #tpu.memory_space<vmem>>
      %dma_wait3A_162 = tpu.memref_squeeze %dma_wait3A_161 : memref<1x128x64xf32, #tpu.memory_space<vmem>> -> memref<128x64xf32, #tpu.memory_space<vmem>>
      %dma_wait3A_163 = arith.constant 0 : i32
      %dma_wait3A_164 = tpu.memref_slice %arg8[%add3A_146, %dma_wait3A_163] : memref<200x128xi32, #tpu.memory_space<vmem>> -> memref<1x128xi32, #tpu.memory_space<vmem>>
      %dma_wait3A_165 = tpu.memref_squeeze %dma_wait3A_164 : memref<1x128xi32, #tpu.memory_space<vmem>> -> memref<128xi32, #tpu.memory_space<vmem>>
      %dma_wait3A_166 = arith.constant 0 : i32
      %dma_wait3A_167 = arith.constant 0 : i32
      %dma_wait3A_168 = tpu.memref_slice %arg12[%dma_wait3A_166, %dma_wait3A_167] : memref<1000x64xf32, #tpu.memory_space<vmem_shared>> -> memref<1000x64xf32, #tpu.memory_space<vmem_shared>>
      tpu.wait_indirect_dma semaphore(%arg16 : memref<!tpu.dma_semaphore, #tpu.memory_space<semaphore_mem>>) src(%dma_wait3A_168 : memref<1000x64xf32, #tpu.memory_space<vmem_shared>>) dst(%dma_wait3A_162 : memref<128x64xf32, #tpu.memory_space<vmem>>)
      %ge3A_169 = arith.constant 2 : i32
      %ge3A_170 = arith.cmpi sge, %add3A_146, %ge3A_169 : i32
      %convert_element_type3A_171 = arith.extui %ge3A_170 : i1 to i32
      %cond3A_172 = arith.constant 0 : i32
      %cond3A_173 = arith.cmpi ne, %convert_element_type3A_171, %cond3A_172 : i32
      scf.if %cond3A_173 {
        %sub3A = arith.constant 2 : i32
        %sub3A_200 = arith.subi %add3A_146, %sub3A : i32
        %mul3A_201 = arith.constant 128 : i32
        %mul3A_202 = arith.muli %sub3A_200, %mul3A_201 : i32
        %add3A_203 = arith.addi %mul3A_4, %mul3A_202 : i32
        %dma_wait3A_204 = arith.constant 1 : i32
        %dma_wait3A_205 = arith.constant 0 : i32
        %dma_wait3A_206 = arith.constant 0 : i32
        %dma_wait3A_207 = tpu.memref_slice %arg11[%dma_wait3A_204, %dma_wait3A_205, %dma_wait3A_206] : memref<2x128x64xf32, #tpu.memory_space<vmem>> -> memref<1x128x64xf32, #tpu.memory_space<vmem>>
        %dma_wait3A_208 = tpu.memref_squeeze %dma_wait3A_207 : memref<1x128x64xf32, #tpu.memory_space<vmem>> -> memref<128x64xf32, #tpu.memory_space<vmem>>
        %dma_wait3A_209 = arith.constant 0 : i32
        %dma_wait3A_210 = tpu.memref_slice %arg6[%add3A_203, %dma_wait3A_209] : memref<819200x64xf32, #tpu.memory_space<hbm>> -> memref<128x64xf32, #tpu.memory_space<hbm>>
        %dma_wait3A_211 = arith.constant 0 : i32
        %dma_wait3A_212 = tpu.memref_slice %arg6[%add3A_203, %dma_wait3A_211] : memref<819200x64xf32, #tpu.memory_space<hbm>> -> memref<128x64xf32, #tpu.memory_space<hbm>>
        %dma_wait3A_213 = arith.constant 0 : i32
        %dma_wait3A_214 = arith.constant 0 : i32
        %dma_wait3A_215 = tpu.memref_slice %arg11[%dma_wait3A_204, %dma_wait3A_213, %dma_wait3A_214] : memref<2x128x64xf32, #tpu.memory_space<vmem>> -> memref<1x128x64xf32, #tpu.memory_space<vmem>>
        %dma_wait3A_216 = tpu.memref_squeeze %dma_wait3A_215 : memref<1x128x64xf32, #tpu.memory_space<vmem>> -> memref<128x64xf32, #tpu.memory_space<vmem>>
        tpu.wait_dma2 semaphore(%arg18 : memref<!tpu.dma_semaphore, #tpu.memory_space<semaphore_mem>>) src(%dma_wait3A_216 : memref<128x64xf32, #tpu.memory_space<vmem>>) dst(%dma_wait3A_212 : memref<128x64xf32, #tpu.memory_space<hbm>>)
      } else {
      }
      %parallel_loop3A_174 = arith.constant 0 : i32
      %parallel_loop3A_175 = arith.constant 128 : i32
      %parallel_loop3A_176 = arith.constant 1 : i32
      scf.for %parallel_loop3A_200 = %parallel_loop3A_174 to %parallel_loop3A_175 step %parallel_loop3A_176  : i32 {
        %parallel_loop3A_201 = arith.constant 1 : i32
        %parallel_loop3A_202 = arith.index_cast %parallel_loop3A_201 : i32 to index
        %parallel_loop3A_203 = arith.index_cast %parallel_loop3A_200 : i32 to index
        %parallel_loop3A_204 = arith.constant 0 : index
        %parallel_loop3A_205 = tpu.vector_load %arg9[%parallel_loop3A_202, %parallel_loop3A_203, %parallel_loop3A_204] {strides = array<i32>} : memref<2x128x64xf32, #tpu.memory_space<vmem>>, vector<1x1x16xf32>,
        %parallel_loop3A_206 = vector.shape_cast %parallel_loop3A_205 : vector<1x1x16xf32> to vector<16xf32>
        %parallel_loop3A_207 = arith.constant 1 : i32
        %parallel_loop3A_208 = arith.index_cast %parallel_loop3A_207 : i32 to index
        %parallel_loop3A_209 = arith.index_cast %parallel_loop3A_200 : i32 to index
        %parallel_loop3A_210 = arith.constant 0 : index
        %parallel_loop3A_211 = tpu.vector_load %arg10[%parallel_loop3A_208, %parallel_loop3A_209, %parallel_loop3A_210] {strides = array<i32>} : memref<2x128x64xf32, #tpu.memory_space<vmem>>, vector<1x1x16xf32>,
        %parallel_loop3A_212 = vector.shape_cast %parallel_loop3A_211 : vector<1x1x16xf32> to vector<16xf32>
        %parallel_loop3A_213 = arith.addf %parallel_loop3A_206, %parallel_loop3A_212 : vector<16xf32>
        %parallel_loop3A_214 = arith.constant 1 : i32
        %parallel_loop3A_215 = arith.index_cast %parallel_loop3A_214 : i32 to index
        %parallel_loop3A_216 = arith.index_cast %parallel_loop3A_200 : i32 to index
        %parallel_loop3A_217 = arith.constant 0 : index
        %parallel_loop3A_218 = tpu.vector_load %arg11[%parallel_loop3A_215, %parallel_loop3A_216, %parallel_loop3A_217] {strides = array<i32>} : memref<2x128x64xf32, #tpu.memory_space<vmem>>, vector<1x1x16xf32>,
        %parallel_loop3A_219 = vector.shape_cast %parallel_loop3A_218 : vector<1x1x16xf32> to vector<16xf32>
        %parallel_loop3A_220 = vector.shape_cast %parallel_loop3A_213 : vector<16xf32> to vector<1x1x16xf32>
        tpu.vector_store %arg11[%parallel_loop3A_215, %parallel_loop3A_216, %parallel_loop3A_217], %parallel_loop3A_220 {strides = array<i32>} : memref<2x128x64xf32, #tpu.memory_space<vmem>>, vector<1x1x16xf32>,
        %parallel_loop3A_221 = arith.constant 1 : i32
        %parallel_loop3A_222 = arith.index_cast %parallel_loop3A_221 : i32 to index
        %parallel_loop3A_223 = arith.index_cast %parallel_loop3A_200 : i32 to index
        %parallel_loop3A_224 = arith.constant 16 : index
        %parallel_loop3A_225 = tpu.vector_load %arg9[%parallel_loop3A_222, %parallel_loop3A_223, %parallel_loop3A_224] {strides = array<i32>} : memref<2x128x64xf32, #tpu.memory_space<vmem>>, vector<1x1x16xf32>,
        %parallel_loop3A_226 = vector.shape_cast %parallel_loop3A_225 : vector<1x1x16xf32> to vector<16xf32>
        %parallel_loop3A_227 = arith.constant 1 : i32
        %parallel_loop3A_228 = arith.index_cast %parallel_loop3A_227 : i32 to index
        %parallel_loop3A_229 = arith.index_cast %parallel_loop3A_200 : i32 to index
        %parallel_loop3A_230 = arith.constant 16 : index
        %parallel_loop3A_231 = tpu.vector_load %arg10[%parallel_loop3A_228, %parallel_loop3A_229, %parallel_loop3A_230] {strides = array<i32>} : memref<2x128x64xf32, #tpu.memory_space<vmem>>, vector<1x1x16xf32>,
        %parallel_loop3A_232 = vector.shape_cast %parallel_loop3A_231 : vector<1x1x16xf32> to vector<16xf32>
        %parallel_loop3A_233 = arith.addf %parallel_loop3A_226, %parallel_loop3A_232 : vector<16xf32>
        %parallel_loop3A_234 = arith.constant 1 : i32
        %parallel_loop3A_235 = arith.index_cast %parallel_loop3A_234 : i32 to index
        %parallel_loop3A_236 = arith.index_cast %parallel_loop3A_200 : i32 to index
        %parallel_loop3A_237 = arith.constant 16 : index
        %parallel_loop3A_238 = tpu.vector_load %arg11[%parallel_loop3A_235, %parallel_loop3A_236, %parallel_loop3A_237] {strides = array<i32>} : memref<2x128x64xf32, #tpu.memory_space<vmem>>, vector<1x1x16xf32>,
        %parallel_loop3A_239 = vector.shape_cast %parallel_loop3A_238 : vector<1x1x16xf32> to vector<16xf32>
        %parallel_loop3A_240 = vector.shape_cast %parallel_loop3A_233 : vector<16xf32> to vector<1x1x16xf32>
        tpu.vector_store %arg11[%parallel_loop3A_235, %parallel_loop3A_236, %parallel_loop3A_237], %parallel_loop3A_240 {strides = array<i32>} : memref<2x128x64xf32, #tpu.memory_space<vmem>>, vector<1x1x16xf32>,
        %parallel_loop3A_241 = arith.constant 1 : i32
        %parallel_loop3A_242 = arith.index_cast %parallel_loop3A_241 : i32 to index
        %parallel_loop3A_243 = arith.index_cast %parallel_loop3A_200 : i32 to index
        %parallel_loop3A_244 = arith.constant 32 : index
        %parallel_loop3A_245 = tpu.vector_load %arg9[%parallel_loop3A_242, %parallel_loop3A_243, %parallel_loop3A_244] {strides = array<i32>} : memref<2x128x64xf32, #tpu.memory_space<vmem>>, vector<1x1x16xf32>,
        %parallel_loop3A_246 = vector.shape_cast %parallel_loop3A_245 : vector<1x1x16xf32> to vector<16xf32>
        %parallel_loop3A_247 = arith.constant 1 : i32
        %parallel_loop3A_248 = arith.index_cast %parallel_loop3A_247 : i32 to index
        %parallel_loop3A_249 = arith.index_cast %parallel_loop3A_200 : i32 to index
        %parallel_loop3A_250 = arith.constant 32 : index
        %parallel_loop3A_251 = tpu.vector_load %arg10[%parallel_loop3A_248, %parallel_loop3A_249, %parallel_loop3A_250] {strides = array<i32>} : memref<2x128x64xf32, #tpu.memory_space<vmem>>, vector<1x1x16xf32>,
        %parallel_loop3A_252 = vector.shape_cast %parallel_loop3A_251 : vector<1x1x16xf32> to vector<16xf32>
        %parallel_loop3A_253 = arith.addf %parallel_loop3A_246, %parallel_loop3A_252 : vector<16xf32>
        %parallel_loop3A_254 = arith.constant 1 : i32
        %parallel_loop3A_255 = arith.index_cast %parallel_loop3A_254 : i32 to index
        %parallel_loop3A_256 = arith.index_cast %parallel_loop3A_200 : i32 to index
        %parallel_loop3A_257 = arith.constant 32 : index
        %parallel_loop3A_258 = tpu.vector_load %arg11[%parallel_loop3A_255, %parallel_loop3A_256, %parallel_loop3A_257] {strides = array<i32>} : memref<2x128x64xf32, #tpu.memory_space<vmem>>, vector<1x1x16xf32>,
        %parallel_loop3A_259 = vector.shape_cast %parallel_loop3A_258 : vector<1x1x16xf32> to vector<16xf32>
        %parallel_loop3A_260 = vector.shape_cast %parallel_loop3A_253 : vector<16xf32> to vector<1x1x16xf32>
        tpu.vector_store %arg11[%parallel_loop3A_255, %parallel_loop3A_256, %parallel_loop3A_257], %parallel_loop3A_260 {strides = array<i32>} : memref<2x128x64xf32, #tpu.memory_space<vmem>>, vector<1x1x16xf32>,
        %parallel_loop3A_261 = arith.constant 1 : i32
        %parallel_loop3A_262 = arith.index_cast %parallel_loop3A_261 : i32 to index
        %parallel_loop3A_263 = arith.index_cast %parallel_loop3A_200 : i32 to index
        %parallel_loop3A_264 = arith.constant 48 : index
        %parallel_loop3A_265 = tpu.vector_load %arg9[%parallel_loop3A_262, %parallel_loop3A_263, %parallel_loop3A_264] {strides = array<i32>} : memref<2x128x64xf32, #tpu.memory_space<vmem>>, vector<1x1x16xf32>,
        %parallel_loop3A_266 = vector.shape_cast %parallel_loop3A_265 : vector<1x1x16xf32> to vector<16xf32>
        %parallel_loop3A_267 = arith.constant 1 : i32
        %parallel_loop3A_268 = arith.index_cast %parallel_loop3A_267 : i32 to index
        %parallel_loop3A_269 = arith.index_cast %parallel_loop3A_200 : i32 to index
        %parallel_loop3A_270 = arith.constant 48 : index
        %parallel_loop3A_271 = tpu.vector_load %arg10[%parallel_loop3A_268, %parallel_loop3A_269, %parallel_loop3A_270] {strides = array<i32>} : memref<2x128x64xf32, #tpu.memory_space<vmem>>, vector<1x1x16xf32>,
        %parallel_loop3A_272 = vector.shape_cast %parallel_loop3A_271 : vector<1x1x16xf32> to vector<16xf32>
        %parallel_loop3A_273 = arith.addf %parallel_loop3A_266, %parallel_loop3A_272 : vector<16xf32>
        %parallel_loop3A_274 = arith.constant 1 : i32
        %parallel_loop3A_275 = arith.index_cast %parallel_loop3A_274 : i32 to index
        %parallel_loop3A_276 = arith.index_cast %parallel_loop3A_200 : i32 to index
        %parallel_loop3A_277 = arith.constant 48 : index
        %parallel_loop3A_278 = tpu.vector_load %arg11[%parallel_loop3A_275, %parallel_loop3A_276, %parallel_loop3A_277] {strides = array<i32>} : memref<2x128x64xf32, #tpu.memory_space<vmem>>, vector<1x1x16xf32>,
        %parallel_loop3A_279 = vector.shape_cast %parallel_loop3A_278 : vector<1x1x16xf32> to vector<16xf32>
        %parallel_loop3A_280 = vector.shape_cast %parallel_loop3A_273 : vector<16xf32> to vector<1x1x16xf32>
        tpu.vector_store %arg11[%parallel_loop3A_275, %parallel_loop3A_276, %parallel_loop3A_277], %parallel_loop3A_280 {strides = array<i32>} : memref<2x128x64xf32, #tpu.memory_space<vmem>>, vector<1x1x16xf32>,
      } {sc.loop_unroll_factor = 16 : i64, sc.parallel_access}
      %mul3A_177 = arith.constant 128 : i32
      %mul3A_178 = arith.muli %add3A_146, %mul3A_177 : i32
      %add3A_179 = arith.addi %mul3A_4, %mul3A_178 : i32
      %dma_start3A_180 = arith.constant 1 : i32
      %dma_start3A_181 = arith.constant 0 : i32
      %dma_start3A_182 = arith.constant 0 : i32
      %dma_start3A_183 = tpu.memref_slice %arg11[%dma_start3A_180, %dma_start3A_181, %dma_start3A_182] : memref<2x128x64xf32, #tpu.memory_space<vmem>> -> memref<1x128x64xf32, #tpu.memory_space<vmem>>
      %dma_start3A_184 = tpu.memref_squeeze %dma_start3A_183 : memref<1x128x64xf32, #tpu.memory_space<vmem>> -> memref<128x64xf32, #tpu.memory_space<vmem>>
      %dma_start3A_185 = arith.constant 0 : i32
      %dma_start3A_186 = tpu.memref_slice %arg6[%add3A_179, %dma_start3A_185] : memref<819200x64xf32, #tpu.memory_space<hbm>> -> memref<128x64xf32, #tpu.memory_space<hbm>>
      %dma_start3A_187 = arith.constant 0 : i32
      %dma_start3A_188 = tpu.memref_slice %arg6[%add3A_179, %dma_start3A_187] : memref<819200x64xf32, #tpu.memory_space<hbm>> -> memref<128x64xf32, #tpu.memory_space<hbm>>
      %dma_start3A_189 = arith.constant 0 : i32
      %dma_start3A_190 = arith.constant 0 : i32
      %dma_start3A_191 = tpu.memref_slice %arg11[%dma_start3A_180, %dma_start3A_189, %dma_start3A_190] : memref<2x128x64xf32, #tpu.memory_space<vmem>> -> memref<1x128x64xf32, #tpu.memory_space<vmem>>
      %dma_start3A_192 = tpu.memref_squeeze %dma_start3A_191 : memref<1x128x64xf32, #tpu.memory_space<vmem>> -> memref<128x64xf32, #tpu.memory_space<vmem>>
      tpu.enqueue_dma source(%dma_start3A_192 : memref<128x64xf32, #tpu.memory_space<vmem>>) target(%dma_start3A_188 : memref<128x64xf32, #tpu.memory_space<hbm>>) target_semaphore(%arg18 : memref<!tpu.dma_semaphore, #tpu.memory_space<semaphore_mem>>)
      %add3A_193 = arith.constant 2 : i32
      %add3A_194 = arith.addi %add3A_146, %add3A_193 : i32
      %lt3A_195 = arith.constant 200 : i32
      %lt3A_196 = arith.cmpi slt, %add3A_194, %lt3A_195 : i32
      %convert_element_type3A_197 = arith.extui %lt3A_196 : i1 to i32
      %cond3A_198 = arith.constant 0 : i32
      %cond3A_199 = arith.cmpi ne, %convert_element_type3A_197, %cond3A_198 : i32
      scf.if %cond3A_199 {
        %add3A_200 = arith.constant 2 : i32
        %add3A_201 = arith.addi %add3A_146, %add3A_200 : i32
        %dma_start3A_202 = arith.constant 1 : i32
        %dma_start3A_203 = arith.constant 0 : i32
        %dma_start3A_204 = arith.constant 0 : i32
        %dma_start3A_205 = tpu.memref_slice %arg9[%dma_start3A_202, %dma_start3A_203, %dma_start3A_204] : memref<2x128x64xf32, #tpu.memory_space<vmem>> -> memref<1x128x64xf32, #tpu.memory_space<vmem>>
        %dma_start3A_206 = tpu.memref_squeeze %dma_start3A_205 : memref<1x128x64xf32, #tpu.memory_space<vmem>> -> memref<128x64xf32, #tpu.memory_space<vmem>>
        %dma_start3A_207 = arith.constant 0 : i32
        %dma_start3A_208 = tpu.memref_slice %arg7[%add3A_201, %dma_start3A_207] : memref<200x128xi32, #tpu.memory_space<vmem>> -> memref<1x128xi32, #tpu.memory_space<vmem>>
        %dma_start3A_209 = tpu.memref_squeeze %dma_start3A_208 : memref<1x128xi32, #tpu.memory_space<vmem>> -> memref<128xi32, #tpu.memory_space<vmem>>
        %dma_start3A_210 = arith.constant 0 : i32
        %dma_start3A_211 = arith.constant 0 : i32
        %dma_start3A_212 = tpu.memref_slice %arg2[%dma_start3A_210, %dma_start3A_211] : memref<100000x64xf32, #tpu.memory_space<hbm>> -> memref<100000x64xf32, #tpu.memory_space<hbm>>
        tpu.enqueue_indirect_dma source(%dma_start3A_212 : memref<100000x64xf32, #tpu.memory_space<hbm>>) target(%dma_start3A_206 : memref<128x64xf32, #tpu.memory_space<vmem>>) offsets(%dma_start3A_209 : memref<128xi32, #tpu.memory_space<vmem>>) semaphore(%arg14 : memref<!tpu.dma_semaphore, #tpu.memory_space<semaphore_mem>>)
        %dma_start3A_213 = arith.constant 1 : i32
        %dma_start3A_214 = arith.constant 0 : i32
        %dma_start3A_215 = arith.constant 0 : i32
        %dma_start3A_216 = tpu.memref_slice %arg10[%dma_start3A_213, %dma_start3A_214, %dma_start3A_215] : memref<2x128x64xf32, #tpu.memory_space<vmem>> -> memref<1x128x64xf32, #tpu.memory_space<vmem>>
        %dma_start3A_217 = tpu.memref_squeeze %dma_start3A_216 : memref<1x128x64xf32, #tpu.memory_space<vmem>> -> memref<128x64xf32, #tpu.memory_space<vmem>>
        %dma_start3A_218 = arith.constant 0 : i32
        %dma_start3A_219 = tpu.memref_slice %arg8[%add3A_201, %dma_start3A_218] : memref<200x128xi32, #tpu.memory_space<vmem>> -> memref<1x128xi32, #tpu.memory_space<vmem>>
        %dma_start3A_220 = tpu.memref_squeeze %dma_start3A_219 : memref<1x128xi32, #tpu.memory_space<vmem>> -> memref<128xi32, #tpu.memory_space<vmem>>
        %dma_start3A_221 = arith.constant 0 : i32
        %dma_start3A_222 = arith.constant 0 : i32
        %dma_start3A_223 = tpu.memref_slice %arg12[%dma_start3A_221, %dma_start3A_222] : memref<1000x64xf32, #tpu.memory_space<vmem_shared>> -> memref<1000x64xf32, #tpu.memory_space<vmem_shared>>
        tpu.enqueue_indirect_dma source(%dma_start3A_223 : memref<1000x64xf32, #tpu.memory_space<vmem_shared>>) target(%dma_start3A_217 : memref<128x64xf32, #tpu.memory_space<vmem>>) offsets(%dma_start3A_220 : memref<128xi32, #tpu.memory_space<vmem>>) semaphore(%arg16 : memref<!tpu.dma_semaphore, #tpu.memory_space<semaphore_mem>>)
      } else {
      }
    }
    %scan3A_58 = arith.constant 100 : i32
    %add3A_59 = arith.constant 25344 : i32
    %add3A_60 = arith.addi %mul3A_4, %add3A_59 : i32
    %dma_wait3A = arith.constant 0 : i32
    %dma_wait3A_61 = arith.constant 0 : i32
    %dma_wait3A_62 = arith.constant 0 : i32
    %dma_wait3A_63 = tpu.memref_slice %arg11[%dma_wait3A, %dma_wait3A_61, %dma_wait3A_62] : memref<2x128x64xf32, #tpu.memory_space<vmem>> -> memref<1x128x64xf32, #tpu.memory_space<vmem>>
    %dma_wait3A_64 = tpu.memref_squeeze %dma_wait3A_63 : memref<1x128x64xf32, #tpu.memory_space<vmem>> -> memref<128x64xf32, #tpu.memory_space<vmem>>
    %dma_wait3A_65 = arith.constant 0 : i32
    %dma_wait3A_66 = tpu.memref_slice %arg6[%add3A_60, %dma_wait3A_65] : memref<819200x64xf32, #tpu.memory_space<hbm>> -> memref<128x64xf32, #tpu.memory_space<hbm>>
    %dma_wait3A_67 = arith.constant 0 : i32
    %dma_wait3A_68 = tpu.memref_slice %arg6[%add3A_60, %dma_wait3A_67] : memref<819200x64xf32, #tpu.memory_space<hbm>> -> memref<128x64xf32, #tpu.memory_space<hbm>>
    %dma_wait3A_69 = arith.constant 0 : i32
    %dma_wait3A_70 = arith.constant 0 : i32
    %dma_wait3A_71 = tpu.memref_slice %arg11[%dma_wait3A, %dma_wait3A_69, %dma_wait3A_70] : memref<2x128x64xf32, #tpu.memory_space<vmem>> -> memref<1x128x64xf32, #tpu.memory_space<vmem>>
    %dma_wait3A_72 = tpu.memref_squeeze %dma_wait3A_71 : memref<1x128x64xf32, #tpu.memory_space<vmem>> -> memref<128x64xf32, #tpu.memory_space<vmem>>
    tpu.wait_dma2 semaphore(%arg17 : memref<!tpu.dma_semaphore, #tpu.memory_space<semaphore_mem>>) src(%dma_wait3A_72 : memref<128x64xf32, #tpu.memory_space<vmem>>) dst(%dma_wait3A_68 : memref<128x64xf32, #tpu.memory_space<hbm>>)
    %add3A_73 = arith.constant 25472 : i32
    %add3A_74 = arith.addi %mul3A_4, %add3A_73 : i32
    %dma_wait3A_75 = arith.constant 1 : i32
    %dma_wait3A_76 = arith.constant 0 : i32
    %dma_wait3A_77 = arith.constant 0 : i32
    %dma_wait3A_78 = tpu.memref_slice %arg11[%dma_wait3A_75, %dma_wait3A_76, %dma_wait3A_77] : memref<2x128x64xf32, #tpu.memory_space<vmem>> -> memref<1x128x64xf32, #tpu.memory_space<vmem>>
    %dma_wait3A_79 = tpu.memref_squeeze %dma_wait3A_78 : memref<1x128x64xf32, #tpu.memory_space<vmem>> -> memref<128x64xf32, #tpu.memory_space<vmem>>
    %dma_wait3A_80 = arith.constant 0 : i32
    %dma_wait3A_81 = tpu.memref_slice %arg6[%add3A_74, %dma_wait3A_80] : memref<819200x64xf32, #tpu.memory_space<hbm>> -> memref<128x64xf32, #tpu.memory_space<hbm>>
    %dma_wait3A_82 = arith.constant 0 : i32
    %dma_wait3A_83 = tpu.memref_slice %arg6[%add3A_74, %dma_wait3A_82] : memref<819200x64xf32, #tpu.memory_space<hbm>> -> memref<128x64xf32, #tpu.memory_space<hbm>>
    %dma_wait3A_84 = arith.constant 0 : i32
    %dma_wait3A_85 = arith.constant 0 : i32
    %dma_wait3A_86 = tpu.memref_slice %arg11[%dma_wait3A_75, %dma_wait3A_84, %dma_wait3A_85] : memref<2x128x64xf32, #tpu.memory_space<vmem>> -> memref<1x128x64xf32, #tpu.memory_space<vmem>>
    %dma_wait3A_87 = tpu.memref_squeeze %dma_wait3A_86 : memref<1x128x64xf32, #tpu.memory_space<vmem>> -> memref<128x64xf32, #tpu.memory_space<vmem>>
    tpu.wait_dma2 semaphore(%arg18 : memref<!tpu.dma_semaphore, #tpu.memory_space<semaphore_mem>>) src(%dma_wait3A_87 : memref<128x64xf32, #tpu.memory_space<vmem>>) dst(%dma_wait3A_83 : memref<128x64xf32, #tpu.memory_space<hbm>>)
    return
  }
}

module attributes {stable_mosaic.version = 14 : i64} {
  func.func @_projb_body(%arg0: memref<1000x64xf32, #tpu.memory_space<vmem>>, %arg1: memref<64x64xf32, #tpu.memory_space<vmem>>, %arg2: memref<1x64xf32, #tpu.memory_space<vmem>>, %arg3: memref<1000x64xf32, #tpu.memory_space<vmem>>) attributes {dimension_semantics = [], scalar_prefetch = 0 : i64, scratch_operands = 0 : i64, tpu.core_type = #tpu.core_type<tc>} {
    %get3A = arith.constant 0 : index
    %get3A_0 = arith.constant 0 : index
    %get3A_1 = vector.load %arg0[%get3A, %get3A_0] : memref<1000x64xf32, #tpu.memory_space<vmem>>, vector<1000x64xf32>
    %get3A_2 = arith.constant 0 : index
    %get3A_3 = arith.constant 0 : index
    %get3A_4 = vector.load %arg1[%get3A_2, %get3A_3] : memref<64x64xf32, #tpu.memory_space<vmem>>, vector<64x64xf32>
    %dot_general3A = arith.constant dense<0.000000e+00> : vector<1000x64xf32>
    %dot_general3A_5 = tpu.matmul %get3A_1, %get3A_4, %dot_general3A {dimension_numbers = #tpu.dot_dimension_numbers<[1], [0], [0], [1], [0, 0, 1, 1], [], []>, transpose_lhs_hint = false} : vector<1000x64xf32>, vector<64x64xf32>, vector<1000x64xf32> -> vector<1000x64xf32>
    %get3A_6 = arith.constant 0 : index
    %get3A_7 = arith.constant 0 : index
    %get3A_8 = vector.load %arg2[%get3A_6, %get3A_7] : memref<1x64xf32, #tpu.memory_space<vmem>>, vector<1x64xf32>
    %add3A = vector.broadcast %get3A_8 : vector<1x64xf32> to vector<1000x64xf32>
    %add3A_9 = arith.addf %dot_general3A_5, %add3A : vector<1000x64xf32>
    %swap3A = arith.constant 0 : index
    %swap3A_10 = arith.constant 0 : index
    %swap3A_11 = vector.load %arg3[%swap3A, %swap3A_10] : memref<1000x64xf32, #tpu.memory_space<vmem>>, vector<1000x64xf32>
    tpu.vector_store %arg3[%swap3A, %swap3A_10], %add3A_9 {strides = array<i32>} : memref<1000x64xf32, #tpu.memory_space<vmem>>, vector<1000x64xf32>,
    return
  }
}

module attributes {stable_mosaic.version = 14 : i64} {
  func.func @_proj_body(%arg0: i32, %arg1: memref<10000x64xf32, #tpu.memory_space<vmem>>, %arg2: memref<64x64xf32, #tpu.memory_space<vmem>>, %arg3: memref<10000x64xf32, #tpu.memory_space<vmem>>) attributes {dimension_semantics = [#tpu.dimension_semantics<arbitrary>], iteration_bounds = array<i64: 10>, scalar_prefetch = 0 : i64, scratch_operands = 0 : i64, tpu.core_type = #tpu.core_type<tc>, window_params = [{transform_indices = @transform_0, window_bounds = array<i64: 10000, 64>}, {pipeline_mode = #tpu.pipeline_mode<synchronous>, transform_indices = @transform_1, window_bounds = array<i64: 64, 64>}, {transform_indices = @transform_2, window_bounds = array<i64: 10000, 64>}]} {
    %get3A = arith.constant 0 : index
    %get3A_0 = arith.constant 0 : index
    %get3A_1 = vector.load %arg1[%get3A, %get3A_0] : memref<10000x64xf32, #tpu.memory_space<vmem>>, vector<10000x64xf32>
    %get3A_2 = arith.constant 0 : index
    %get3A_3 = arith.constant 0 : index
    %get3A_4 = vector.load %arg2[%get3A_2, %get3A_3] : memref<64x64xf32, #tpu.memory_space<vmem>>, vector<64x64xf32>
    %dot_general3A = arith.constant dense<0.000000e+00> : vector<10000x64xf32>
    %dot_general3A_5 = tpu.matmul %get3A_1, %get3A_4, %dot_general3A {dimension_numbers = #tpu.dot_dimension_numbers<[1], [0], [0], [1], [0, 0, 1, 1], [], []>, transpose_lhs_hint = false} : vector<10000x64xf32>, vector<64x64xf32>, vector<10000x64xf32> -> vector<10000x64xf32>
    %swap3A = arith.constant 0 : index
    %swap3A_6 = arith.constant 0 : index
    %swap3A_7 = vector.load %arg3[%swap3A, %swap3A_6] : memref<10000x64xf32, #tpu.memory_space<vmem>>, vector<10000x64xf32>
    tpu.vector_store %arg3[%swap3A, %swap3A_6], %dot_general3A_5 {strides = array<i32>} : memref<10000x64xf32, #tpu.memory_space<vmem>>, vector<10000x64xf32>,
    return
  }
  func.func @transform_0(%arg0: i32) -> (i32, i32) {
    %c0_i32 = arith.constant 0 : i32
    %c0_i32_0 = arith.constant 0 : i32
    return %arg0, %c0_i32 : i32, i32
  }
  func.func @transform_1(%arg0: i32) -> (i32, i32) {
    %c0_i32 = arith.constant 0 : i32
    %c0_i32_0 = arith.constant 0 : i32
    %c0_i32_1 = arith.constant 0 : i32
    return %c0_i32, %c0_i32_0 : i32, i32
  }
  func.func @transform_2(%arg0: i32) -> (i32, i32) {
    %c0_i32 = arith.constant 0 : i32
    %c0_i32_0 = arith.constant 0 : i32
    return %arg0, %c0_i32 : i32, i32
  }
}

module attributes {stable_mosaic.version = 14 : i64} {
  func.func @_fin_body(%arg0: i32, %arg1: memref<12800x128xf32, #tpu.memory_space<vmem>>, %arg2: memref<512x512xf32, #tpu.memory_space<vmem>>, %arg3: memref<3200x512xf32, #tpu.memory_space<vmem>>) attributes {dimension_semantics = [#tpu.dimension_semantics<arbitrary>], iteration_bounds = array<i64: 32>, scalar_prefetch = 0 : i64, scratch_operands = 0 : i64, tpu.core_type = #tpu.core_type<tc>, window_params = [{transform_indices = @transform_0, window_bounds = array<i64: 12800, 128>}, {pipeline_mode = #tpu.pipeline_mode<synchronous>, transform_indices = @transform_1, window_bounds = array<i64: 512, 512>}, {transform_indices = @transform_2, window_bounds = array<i64: 3200, 512>}]} {
    %get3A = arith.constant 0 : index
    %get3A_0 = arith.constant 0 : index
    %get3A_1 = vector.load %arg1[%get3A, %get3A_0] : memref<12800x128xf32, #tpu.memory_space<vmem>>, vector<12800x128xf32>
    %reshape3A = vector.shape_cast %get3A_1 : vector<12800x128xf32> to vector<512x25x128xf32>
    %get3A_2 = arith.constant 0 : index
    %get3A_3 = arith.constant 0 : index
    %get3A_4 = vector.load %arg2[%get3A_2, %get3A_3] : memref<512x512xf32, #tpu.memory_space<vmem>>, vector<512x512xf32>
    %slice3A = vector.extract_strided_slice %reshape3A {offsets = [0, 0, 0], sizes = [512, 1, 128], strides = [1, 1, 1]} : vector<512x25x128xf32> to vector<512x1x128xf32>
    %squeeze3A = vector.shape_cast %slice3A : vector<512x1x128xf32> to vector<512x128xf32>
    %dot_general3A = arith.constant dense<0.000000e+00> : vector<128x512xf32>
    %dot_general3A_5 = tpu.matmul %squeeze3A, %get3A_4, %dot_general3A {dimension_numbers = #tpu.dot_dimension_numbers<[0], [0], [1], [1], [0, 1, 1, 1], [], []>, transpose_lhs_hint = false} : vector<512x128xf32>, vector<512x512xf32>, vector<128x512xf32> -> vector<128x512xf32>
    %swap3A = arith.constant 0 : index
    %swap3A_6 = arith.constant 0 : index
    %swap3A_7 = vector.load %arg3[%swap3A, %swap3A_6] : memref<3200x512xf32, #tpu.memory_space<vmem>>, vector<128x512xf32>
    tpu.vector_store %arg3[%swap3A, %swap3A_6], %dot_general3A_5 {strides = array<i32>} : memref<3200x512xf32, #tpu.memory_space<vmem>>, vector<128x512xf32>,
    %slice3A_8 = vector.extract_strided_slice %reshape3A {offsets = [0, 1, 0], sizes = [512, 1, 128], strides = [1, 1, 1]} : vector<512x25x128xf32> to vector<512x1x128xf32>
    %squeeze3A_9 = vector.shape_cast %slice3A_8 : vector<512x1x128xf32> to vector<512x128xf32>
    %dot_general3A_10 = arith.constant dense<0.000000e+00> : vector<128x512xf32>
    %dot_general3A_11 = tpu.matmul %squeeze3A_9, %get3A_4, %dot_general3A_10 {dimension_numbers = #tpu.dot_dimension_numbers<[0], [0], [1], [1], [0, 1, 1, 1], [], []>, transpose_lhs_hint = false} : vector<512x128xf32>, vector<512x512xf32>, vector<128x512xf32> -> vector<128x512xf32>
    %swap3A_12 = arith.constant 128 : index
    %swap3A_13 = arith.constant 0 : index
    %swap3A_14 = vector.load %arg3[%swap3A_12, %swap3A_13] : memref<3200x512xf32, #tpu.memory_space<vmem>>, vector<128x512xf32>
    tpu.vector_store %arg3[%swap3A_12, %swap3A_13], %dot_general3A_11 {strides = array<i32>} : memref<3200x512xf32, #tpu.memory_space<vmem>>, vector<128x512xf32>,
    %slice3A_15 = vector.extract_strided_slice %reshape3A {offsets = [0, 2, 0], sizes = [512, 1, 128], strides = [1, 1, 1]} : vector<512x25x128xf32> to vector<512x1x128xf32>
    %squeeze3A_16 = vector.shape_cast %slice3A_15 : vector<512x1x128xf32> to vector<512x128xf32>
    %dot_general3A_17 = arith.constant dense<0.000000e+00> : vector<128x512xf32>
    %dot_general3A_18 = tpu.matmul %squeeze3A_16, %get3A_4, %dot_general3A_17 {dimension_numbers = #tpu.dot_dimension_numbers<[0], [0], [1], [1], [0, 1, 1, 1], [], []>, transpose_lhs_hint = false} : vector<512x128xf32>, vector<512x512xf32>, vector<128x512xf32> -> vector<128x512xf32>
    %swap3A_19 = arith.constant 256 : index
    %swap3A_20 = arith.constant 0 : index
    %swap3A_21 = vector.load %arg3[%swap3A_19, %swap3A_20] : memref<3200x512xf32, #tpu.memory_space<vmem>>, vector<128x512xf32>
    tpu.vector_store %arg3[%swap3A_19, %swap3A_20], %dot_general3A_18 {strides = array<i32>} : memref<3200x512xf32, #tpu.memory_space<vmem>>, vector<128x512xf32>,
    %slice3A_22 = vector.extract_strided_slice %reshape3A {offsets = [0, 3, 0], sizes = [512, 1, 128], strides = [1, 1, 1]} : vector<512x25x128xf32> to vector<512x1x128xf32>
    %squeeze3A_23 = vector.shape_cast %slice3A_22 : vector<512x1x128xf32> to vector<512x128xf32>
    %dot_general3A_24 = arith.constant dense<0.000000e+00> : vector<128x512xf32>
    %dot_general3A_25 = tpu.matmul %squeeze3A_23, %get3A_4, %dot_general3A_24 {dimension_numbers = #tpu.dot_dimension_numbers<[0], [0], [1], [1], [0, 1, 1, 1], [], []>, transpose_lhs_hint = false} : vector<512x128xf32>, vector<512x512xf32>, vector<128x512xf32> -> vector<128x512xf32>
    %swap3A_26 = arith.constant 384 : index
    %swap3A_27 = arith.constant 0 : index
    %swap3A_28 = vector.load %arg3[%swap3A_26, %swap3A_27] : memref<3200x512xf32, #tpu.memory_space<vmem>>, vector<128x512xf32>
    tpu.vector_store %arg3[%swap3A_26, %swap3A_27], %dot_general3A_25 {strides = array<i32>} : memref<3200x512xf32, #tpu.memory_space<vmem>>, vector<128x512xf32>,
    %slice3A_29 = vector.extract_strided_slice %reshape3A {offsets = [0, 4, 0], sizes = [512, 1, 128], strides = [1, 1, 1]} : vector<512x25x128xf32> to vector<512x1x128xf32>
    %squeeze3A_30 = vector.shape_cast %slice3A_29 : vector<512x1x128xf32> to vector<512x128xf32>
    %dot_general3A_31 = arith.constant dense<0.000000e+00> : vector<128x512xf32>
    %dot_general3A_32 = tpu.matmul %squeeze3A_30, %get3A_4, %dot_general3A_31 {dimension_numbers = #tpu.dot_dimension_numbers<[0], [0], [1], [1], [0, 1, 1, 1], [], []>, transpose_lhs_hint = false} : vector<512x128xf32>, vector<512x512xf32>, vector<128x512xf32> -> vector<128x512xf32>
    %swap3A_33 = arith.constant 512 : index
    %swap3A_34 = arith.constant 0 : index
    %swap3A_35 = vector.load %arg3[%swap3A_33, %swap3A_34] : memref<3200x512xf32, #tpu.memory_space<vmem>>, vector<128x512xf32>
    tpu.vector_store %arg3[%swap3A_33, %swap3A_34], %dot_general3A_32 {strides = array<i32>} : memref<3200x512xf32, #tpu.memory_space<vmem>>, vector<128x512xf32>,
    %slice3A_36 = vector.extract_strided_slice %reshape3A {offsets = [0, 5, 0], sizes = [512, 1, 128], strides = [1, 1, 1]} : vector<512x25x128xf32> to vector<512x1x128xf32>
    %squeeze3A_37 = vector.shape_cast %slice3A_36 : vector<512x1x128xf32> to vector<512x128xf32>
    %dot_general3A_38 = arith.constant dense<0.000000e+00> : vector<128x512xf32>
    %dot_general3A_39 = tpu.matmul %squeeze3A_37, %get3A_4, %dot_general3A_38 {dimension_numbers = #tpu.dot_dimension_numbers<[0], [0], [1], [1], [0, 1, 1, 1], [], []>, transpose_lhs_hint = false} : vector<512x128xf32>, vector<512x512xf32>, vector<128x512xf32> -> vector<128x512xf32>
    %swap3A_40 = arith.constant 640 : index
    %swap3A_41 = arith.constant 0 : index
    %swap3A_42 = vector.load %arg3[%swap3A_40, %swap3A_41] : memref<3200x512xf32, #tpu.memory_space<vmem>>, vector<128x512xf32>
    tpu.vector_store %arg3[%swap3A_40, %swap3A_41], %dot_general3A_39 {strides = array<i32>} : memref<3200x512xf32, #tpu.memory_space<vmem>>, vector<128x512xf32>,
    %slice3A_43 = vector.extract_strided_slice %reshape3A {offsets = [0, 6, 0], sizes = [512, 1, 128], strides = [1, 1, 1]} : vector<512x25x128xf32> to vector<512x1x128xf32>
    %squeeze3A_44 = vector.shape_cast %slice3A_43 : vector<512x1x128xf32> to vector<512x128xf32>
    %dot_general3A_45 = arith.constant dense<0.000000e+00> : vector<128x512xf32>
    %dot_general3A_46 = tpu.matmul %squeeze3A_44, %get3A_4, %dot_general3A_45 {dimension_numbers = #tpu.dot_dimension_numbers<[0], [0], [1], [1], [0, 1, 1, 1], [], []>, transpose_lhs_hint = false} : vector<512x128xf32>, vector<512x512xf32>, vector<128x512xf32> -> vector<128x512xf32>
    %swap3A_47 = arith.constant 768 : index
    %swap3A_48 = arith.constant 0 : index
    %swap3A_49 = vector.load %arg3[%swap3A_47, %swap3A_48] : memref<3200x512xf32, #tpu.memory_space<vmem>>, vector<128x512xf32>
    tpu.vector_store %arg3[%swap3A_47, %swap3A_48], %dot_general3A_46 {strides = array<i32>} : memref<3200x512xf32, #tpu.memory_space<vmem>>, vector<128x512xf32>,
    %slice3A_50 = vector.extract_strided_slice %reshape3A {offsets = [0, 7, 0], sizes = [512, 1, 128], strides = [1, 1, 1]} : vector<512x25x128xf32> to vector<512x1x128xf32>
    %squeeze3A_51 = vector.shape_cast %slice3A_50 : vector<512x1x128xf32> to vector<512x128xf32>
    %dot_general3A_52 = arith.constant dense<0.000000e+00> : vector<128x512xf32>
    %dot_general3A_53 = tpu.matmul %squeeze3A_51, %get3A_4, %dot_general3A_52 {dimension_numbers = #tpu.dot_dimension_numbers<[0], [0], [1], [1], [0, 1, 1, 1], [], []>, transpose_lhs_hint = false} : vector<512x128xf32>, vector<512x512xf32>, vector<128x512xf32> -> vector<128x512xf32>
    %swap3A_54 = arith.constant 896 : index
    %swap3A_55 = arith.constant 0 : index
    %swap3A_56 = vector.load %arg3[%swap3A_54, %swap3A_55] : memref<3200x512xf32, #tpu.memory_space<vmem>>, vector<128x512xf32>
    tpu.vector_store %arg3[%swap3A_54, %swap3A_55], %dot_general3A_53 {strides = array<i32>} : memref<3200x512xf32, #tpu.memory_space<vmem>>, vector<128x512xf32>,
    %slice3A_57 = vector.extract_strided_slice %reshape3A {offsets = [0, 8, 0], sizes = [512, 1, 128], strides = [1, 1, 1]} : vector<512x25x128xf32> to vector<512x1x128xf32>
    %squeeze3A_58 = vector.shape_cast %slice3A_57 : vector<512x1x128xf32> to vector<512x128xf32>
    %dot_general3A_59 = arith.constant dense<0.000000e+00> : vector<128x512xf32>
    %dot_general3A_60 = tpu.matmul %squeeze3A_58, %get3A_4, %dot_general3A_59 {dimension_numbers = #tpu.dot_dimension_numbers<[0], [0], [1], [1], [0, 1, 1, 1], [], []>, transpose_lhs_hint = false} : vector<512x128xf32>, vector<512x512xf32>, vector<128x512xf32> -> vector<128x512xf32>
    %swap3A_61 = arith.constant 1024 : index
    %swap3A_62 = arith.constant 0 : index
    %swap3A_63 = vector.load %arg3[%swap3A_61, %swap3A_62] : memref<3200x512xf32, #tpu.memory_space<vmem>>, vector<128x512xf32>
    tpu.vector_store %arg3[%swap3A_61, %swap3A_62], %dot_general3A_60 {strides = array<i32>} : memref<3200x512xf32, #tpu.memory_space<vmem>>, vector<128x512xf32>,
    %slice3A_64 = vector.extract_strided_slice %reshape3A {offsets = [0, 9, 0], sizes = [512, 1, 128], strides = [1, 1, 1]} : vector<512x25x128xf32> to vector<512x1x128xf32>
    %squeeze3A_65 = vector.shape_cast %slice3A_64 : vector<512x1x128xf32> to vector<512x128xf32>
    %dot_general3A_66 = arith.constant dense<0.000000e+00> : vector<128x512xf32>
    %dot_general3A_67 = tpu.matmul %squeeze3A_65, %get3A_4, %dot_general3A_66 {dimension_numbers = #tpu.dot_dimension_numbers<[0], [0], [1], [1], [0, 1, 1, 1], [], []>, transpose_lhs_hint = false} : vector<512x128xf32>, vector<512x512xf32>, vector<128x512xf32> -> vector<128x512xf32>
    %swap3A_68 = arith.constant 1152 : index
    %swap3A_69 = arith.constant 0 : index
    %swap3A_70 = vector.load %arg3[%swap3A_68, %swap3A_69] : memref<3200x512xf32, #tpu.memory_space<vmem>>, vector<128x512xf32>
    tpu.vector_store %arg3[%swap3A_68, %swap3A_69], %dot_general3A_67 {strides = array<i32>} : memref<3200x512xf32, #tpu.memory_space<vmem>>, vector<128x512xf32>,
    %slice3A_71 = vector.extract_strided_slice %reshape3A {offsets = [0, 10, 0], sizes = [512, 1, 128], strides = [1, 1, 1]} : vector<512x25x128xf32> to vector<512x1x128xf32>
    %squeeze3A_72 = vector.shape_cast %slice3A_71 : vector<512x1x128xf32> to vector<512x128xf32>
    %dot_general3A_73 = arith.constant dense<0.000000e+00> : vector<128x512xf32>
    %dot_general3A_74 = tpu.matmul %squeeze3A_72, %get3A_4, %dot_general3A_73 {dimension_numbers = #tpu.dot_dimension_numbers<[0], [0], [1], [1], [0, 1, 1, 1], [], []>, transpose_lhs_hint = false} : vector<512x128xf32>, vector<512x512xf32>, vector<128x512xf32> -> vector<128x512xf32>
    %swap3A_75 = arith.constant 1280 : index
    %swap3A_76 = arith.constant 0 : index
    %swap3A_77 = vector.load %arg3[%swap3A_75, %swap3A_76] : memref<3200x512xf32, #tpu.memory_space<vmem>>, vector<128x512xf32>
    tpu.vector_store %arg3[%swap3A_75, %swap3A_76], %dot_general3A_74 {strides = array<i32>} : memref<3200x512xf32, #tpu.memory_space<vmem>>, vector<128x512xf32>,
    %slice3A_78 = vector.extract_strided_slice %reshape3A {offsets = [0, 11, 0], sizes = [512, 1, 128], strides = [1, 1, 1]} : vector<512x25x128xf32> to vector<512x1x128xf32>
    %squeeze3A_79 = vector.shape_cast %slice3A_78 : vector<512x1x128xf32> to vector<512x128xf32>
    %dot_general3A_80 = arith.constant dense<0.000000e+00> : vector<128x512xf32>
    %dot_general3A_81 = tpu.matmul %squeeze3A_79, %get3A_4, %dot_general3A_80 {dimension_numbers = #tpu.dot_dimension_numbers<[0], [0], [1], [1], [0, 1, 1, 1], [], []>, transpose_lhs_hint = false} : vector<512x128xf32>, vector<512x512xf32>, vector<128x512xf32> -> vector<128x512xf32>
    %swap3A_82 = arith.constant 1408 : index
    %swap3A_83 = arith.constant 0 : index
    %swap3A_84 = vector.load %arg3[%swap3A_82, %swap3A_83] : memref<3200x512xf32, #tpu.memory_space<vmem>>, vector<128x512xf32>
    tpu.vector_store %arg3[%swap3A_82, %swap3A_83], %dot_general3A_81 {strides = array<i32>} : memref<3200x512xf32, #tpu.memory_space<vmem>>, vector<128x512xf32>,
    %slice3A_85 = vector.extract_strided_slice %reshape3A {offsets = [0, 12, 0], sizes = [512, 1, 128], strides = [1, 1, 1]} : vector<512x25x128xf32> to vector<512x1x128xf32>
    %squeeze3A_86 = vector.shape_cast %slice3A_85 : vector<512x1x128xf32> to vector<512x128xf32>
    %dot_general3A_87 = arith.constant dense<0.000000e+00> : vector<128x512xf32>
    %dot_general3A_88 = tpu.matmul %squeeze3A_86, %get3A_4, %dot_general3A_87 {dimension_numbers = #tpu.dot_dimension_numbers<[0], [0], [1], [1], [0, 1, 1, 1], [], []>, transpose_lhs_hint = false} : vector<512x128xf32>, vector<512x512xf32>, vector<128x512xf32> -> vector<128x512xf32>
    %swap3A_89 = arith.constant 1536 : index
    %swap3A_90 = arith.constant 0 : index
    %swap3A_91 = vector.load %arg3[%swap3A_89, %swap3A_90] : memref<3200x512xf32, #tpu.memory_space<vmem>>, vector<128x512xf32>
    tpu.vector_store %arg3[%swap3A_89, %swap3A_90], %dot_general3A_88 {strides = array<i32>} : memref<3200x512xf32, #tpu.memory_space<vmem>>, vector<128x512xf32>,
    %slice3A_92 = vector.extract_strided_slice %reshape3A {offsets = [0, 13, 0], sizes = [512, 1, 128], strides = [1, 1, 1]} : vector<512x25x128xf32> to vector<512x1x128xf32>
    %squeeze3A_93 = vector.shape_cast %slice3A_92 : vector<512x1x128xf32> to vector<512x128xf32>
    %dot_general3A_94 = arith.constant dense<0.000000e+00> : vector<128x512xf32>
    %dot_general3A_95 = tpu.matmul %squeeze3A_93, %get3A_4, %dot_general3A_94 {dimension_numbers = #tpu.dot_dimension_numbers<[0], [0], [1], [1], [0, 1, 1, 1], [], []>, transpose_lhs_hint = false} : vector<512x128xf32>, vector<512x512xf32>, vector<128x512xf32> -> vector<128x512xf32>
    %swap3A_96 = arith.constant 1664 : index
    %swap3A_97 = arith.constant 0 : index
    %swap3A_98 = vector.load %arg3[%swap3A_96, %swap3A_97] : memref<3200x512xf32, #tpu.memory_space<vmem>>, vector<128x512xf32>
    tpu.vector_store %arg3[%swap3A_96, %swap3A_97], %dot_general3A_95 {strides = array<i32>} : memref<3200x512xf32, #tpu.memory_space<vmem>>, vector<128x512xf32>,
    %slice3A_99 = vector.extract_strided_slice %reshape3A {offsets = [0, 14, 0], sizes = [512, 1, 128], strides = [1, 1, 1]} : vector<512x25x128xf32> to vector<512x1x128xf32>
    %squeeze3A_100 = vector.shape_cast %slice3A_99 : vector<512x1x128xf32> to vector<512x128xf32>
    %dot_general3A_101 = arith.constant dense<0.000000e+00> : vector<128x512xf32>
    %dot_general3A_102 = tpu.matmul %squeeze3A_100, %get3A_4, %dot_general3A_101 {dimension_numbers = #tpu.dot_dimension_numbers<[0], [0], [1], [1], [0, 1, 1, 1], [], []>, transpose_lhs_hint = false} : vector<512x128xf32>, vector<512x512xf32>, vector<128x512xf32> -> vector<128x512xf32>
    %swap3A_103 = arith.constant 1792 : index
    %swap3A_104 = arith.constant 0 : index
    %swap3A_105 = vector.load %arg3[%swap3A_103, %swap3A_104] : memref<3200x512xf32, #tpu.memory_space<vmem>>, vector<128x512xf32>
    tpu.vector_store %arg3[%swap3A_103, %swap3A_104], %dot_general3A_102 {strides = array<i32>} : memref<3200x512xf32, #tpu.memory_space<vmem>>, vector<128x512xf32>,
    %slice3A_106 = vector.extract_strided_slice %reshape3A {offsets = [0, 15, 0], sizes = [512, 1, 128], strides = [1, 1, 1]} : vector<512x25x128xf32> to vector<512x1x128xf32>
    %squeeze3A_107 = vector.shape_cast %slice3A_106 : vector<512x1x128xf32> to vector<512x128xf32>
    %dot_general3A_108 = arith.constant dense<0.000000e+00> : vector<128x512xf32>
    %dot_general3A_109 = tpu.matmul %squeeze3A_107, %get3A_4, %dot_general3A_108 {dimension_numbers = #tpu.dot_dimension_numbers<[0], [0], [1], [1], [0, 1, 1, 1], [], []>, transpose_lhs_hint = false} : vector<512x128xf32>, vector<512x512xf32>, vector<128x512xf32> -> vector<128x512xf32>
    %swap3A_110 = arith.constant 1920 : index
    %swap3A_111 = arith.constant 0 : index
    %swap3A_112 = vector.load %arg3[%swap3A_110, %swap3A_111] : memref<3200x512xf32, #tpu.memory_space<vmem>>, vector<128x512xf32>
    tpu.vector_store %arg3[%swap3A_110, %swap3A_111], %dot_general3A_109 {strides = array<i32>} : memref<3200x512xf32, #tpu.memory_space<vmem>>, vector<128x512xf32>,
    %slice3A_113 = vector.extract_strided_slice %reshape3A {offsets = [0, 16, 0], sizes = [512, 1, 128], strides = [1, 1, 1]} : vector<512x25x128xf32> to vector<512x1x128xf32>
    %squeeze3A_114 = vector.shape_cast %slice3A_113 : vector<512x1x128xf32> to vector<512x128xf32>
    %dot_general3A_115 = arith.constant dense<0.000000e+00> : vector<128x512xf32>
    %dot_general3A_116 = tpu.matmul %squeeze3A_114, %get3A_4, %dot_general3A_115 {dimension_numbers = #tpu.dot_dimension_numbers<[0], [0], [1], [1], [0, 1, 1, 1], [], []>, transpose_lhs_hint = false} : vector<512x128xf32>, vector<512x512xf32>, vector<128x512xf32> -> vector<128x512xf32>
    %swap3A_117 = arith.constant 2048 : index
    %swap3A_118 = arith.constant 0 : index
    %swap3A_119 = vector.load %arg3[%swap3A_117, %swap3A_118] : memref<3200x512xf32, #tpu.memory_space<vmem>>, vector<128x512xf32>
    tpu.vector_store %arg3[%swap3A_117, %swap3A_118], %dot_general3A_116 {strides = array<i32>} : memref<3200x512xf32, #tpu.memory_space<vmem>>, vector<128x512xf32>,
    %slice3A_120 = vector.extract_strided_slice %reshape3A {offsets = [0, 17, 0], sizes = [512, 1, 128], strides = [1, 1, 1]} : vector<512x25x128xf32> to vector<512x1x128xf32>
    %squeeze3A_121 = vector.shape_cast %slice3A_120 : vector<512x1x128xf32> to vector<512x128xf32>
    %dot_general3A_122 = arith.constant dense<0.000000e+00> : vector<128x512xf32>
    %dot_general3A_123 = tpu.matmul %squeeze3A_121, %get3A_4, %dot_general3A_122 {dimension_numbers = #tpu.dot_dimension_numbers<[0], [0], [1], [1], [0, 1, 1, 1], [], []>, transpose_lhs_hint = false} : vector<512x128xf32>, vector<512x512xf32>, vector<128x512xf32> -> vector<128x512xf32>
    %swap3A_124 = arith.constant 2176 : index
    %swap3A_125 = arith.constant 0 : index
    %swap3A_126 = vector.load %arg3[%swap3A_124, %swap3A_125] : memref<3200x512xf32, #tpu.memory_space<vmem>>, vector<128x512xf32>
    tpu.vector_store %arg3[%swap3A_124, %swap3A_125], %dot_general3A_123 {strides = array<i32>} : memref<3200x512xf32, #tpu.memory_space<vmem>>, vector<128x512xf32>,
    %slice3A_127 = vector.extract_strided_slice %reshape3A {offsets = [0, 18, 0], sizes = [512, 1, 128], strides = [1, 1, 1]} : vector<512x25x128xf32> to vector<512x1x128xf32>
    %squeeze3A_128 = vector.shape_cast %slice3A_127 : vector<512x1x128xf32> to vector<512x128xf32>
    %dot_general3A_129 = arith.constant dense<0.000000e+00> : vector<128x512xf32>
    %dot_general3A_130 = tpu.matmul %squeeze3A_128, %get3A_4, %dot_general3A_129 {dimension_numbers = #tpu.dot_dimension_numbers<[0], [0], [1], [1], [0, 1, 1, 1], [], []>, transpose_lhs_hint = false} : vector<512x128xf32>, vector<512x512xf32>, vector<128x512xf32> -> vector<128x512xf32>
    %swap3A_131 = arith.constant 2304 : index
    %swap3A_132 = arith.constant 0 : index
    %swap3A_133 = vector.load %arg3[%swap3A_131, %swap3A_132] : memref<3200x512xf32, #tpu.memory_space<vmem>>, vector<128x512xf32>
    tpu.vector_store %arg3[%swap3A_131, %swap3A_132], %dot_general3A_130 {strides = array<i32>} : memref<3200x512xf32, #tpu.memory_space<vmem>>, vector<128x512xf32>,
    %slice3A_134 = vector.extract_strided_slice %reshape3A {offsets = [0, 19, 0], sizes = [512, 1, 128], strides = [1, 1, 1]} : vector<512x25x128xf32> to vector<512x1x128xf32>
    %squeeze3A_135 = vector.shape_cast %slice3A_134 : vector<512x1x128xf32> to vector<512x128xf32>
    %dot_general3A_136 = arith.constant dense<0.000000e+00> : vector<128x512xf32>
    %dot_general3A_137 = tpu.matmul %squeeze3A_135, %get3A_4, %dot_general3A_136 {dimension_numbers = #tpu.dot_dimension_numbers<[0], [0], [1], [1], [0, 1, 1, 1], [], []>, transpose_lhs_hint = false} : vector<512x128xf32>, vector<512x512xf32>, vector<128x512xf32> -> vector<128x512xf32>
    %swap3A_138 = arith.constant 2432 : index
    %swap3A_139 = arith.constant 0 : index
    %swap3A_140 = vector.load %arg3[%swap3A_138, %swap3A_139] : memref<3200x512xf32, #tpu.memory_space<vmem>>, vector<128x512xf32>
    tpu.vector_store %arg3[%swap3A_138, %swap3A_139], %dot_general3A_137 {strides = array<i32>} : memref<3200x512xf32, #tpu.memory_space<vmem>>, vector<128x512xf32>,
    %slice3A_141 = vector.extract_strided_slice %reshape3A {offsets = [0, 20, 0], sizes = [512, 1, 128], strides = [1, 1, 1]} : vector<512x25x128xf32> to vector<512x1x128xf32>
    %squeeze3A_142 = vector.shape_cast %slice3A_141 : vector<512x1x128xf32> to vector<512x128xf32>
    %dot_general3A_143 = arith.constant dense<0.000000e+00> : vector<128x512xf32>
    %dot_general3A_144 = tpu.matmul %squeeze3A_142, %get3A_4, %dot_general3A_143 {dimension_numbers = #tpu.dot_dimension_numbers<[0], [0], [1], [1], [0, 1, 1, 1], [], []>, transpose_lhs_hint = false} : vector<512x128xf32>, vector<512x512xf32>, vector<128x512xf32> -> vector<128x512xf32>
    %swap3A_145 = arith.constant 2560 : index
    %swap3A_146 = arith.constant 0 : index
    %swap3A_147 = vector.load %arg3[%swap3A_145, %swap3A_146] : memref<3200x512xf32, #tpu.memory_space<vmem>>, vector<128x512xf32>
    tpu.vector_store %arg3[%swap3A_145, %swap3A_146], %dot_general3A_144 {strides = array<i32>} : memref<3200x512xf32, #tpu.memory_space<vmem>>, vector<128x512xf32>,
    %slice3A_148 = vector.extract_strided_slice %reshape3A {offsets = [0, 21, 0], sizes = [512, 1, 128], strides = [1, 1, 1]} : vector<512x25x128xf32> to vector<512x1x128xf32>
    %squeeze3A_149 = vector.shape_cast %slice3A_148 : vector<512x1x128xf32> to vector<512x128xf32>
    %dot_general3A_150 = arith.constant dense<0.000000e+00> : vector<128x512xf32>
    %dot_general3A_151 = tpu.matmul %squeeze3A_149, %get3A_4, %dot_general3A_150 {dimension_numbers = #tpu.dot_dimension_numbers<[0], [0], [1], [1], [0, 1, 1, 1], [], []>, transpose_lhs_hint = false} : vector<512x128xf32>, vector<512x512xf32>, vector<128x512xf32> -> vector<128x512xf32>
    %swap3A_152 = arith.constant 2688 : index
    %swap3A_153 = arith.constant 0 : index
    %swap3A_154 = vector.load %arg3[%swap3A_152, %swap3A_153] : memref<3200x512xf32, #tpu.memory_space<vmem>>, vector<128x512xf32>
    tpu.vector_store %arg3[%swap3A_152, %swap3A_153], %dot_general3A_151 {strides = array<i32>} : memref<3200x512xf32, #tpu.memory_space<vmem>>, vector<128x512xf32>,
    %slice3A_155 = vector.extract_strided_slice %reshape3A {offsets = [0, 22, 0], sizes = [512, 1, 128], strides = [1, 1, 1]} : vector<512x25x128xf32> to vector<512x1x128xf32>
    %squeeze3A_156 = vector.shape_cast %slice3A_155 : vector<512x1x128xf32> to vector<512x128xf32>
    %dot_general3A_157 = arith.constant dense<0.000000e+00> : vector<128x512xf32>
    %dot_general3A_158 = tpu.matmul %squeeze3A_156, %get3A_4, %dot_general3A_157 {dimension_numbers = #tpu.dot_dimension_numbers<[0], [0], [1], [1], [0, 1, 1, 1], [], []>, transpose_lhs_hint = false} : vector<512x128xf32>, vector<512x512xf32>, vector<128x512xf32> -> vector<128x512xf32>
    %swap3A_159 = arith.constant 2816 : index
    %swap3A_160 = arith.constant 0 : index
    %swap3A_161 = vector.load %arg3[%swap3A_159, %swap3A_160] : memref<3200x512xf32, #tpu.memory_space<vmem>>, vector<128x512xf32>
    tpu.vector_store %arg3[%swap3A_159, %swap3A_160], %dot_general3A_158 {strides = array<i32>} : memref<3200x512xf32, #tpu.memory_space<vmem>>, vector<128x512xf32>,
    %slice3A_162 = vector.extract_strided_slice %reshape3A {offsets = [0, 23, 0], sizes = [512, 1, 128], strides = [1, 1, 1]} : vector<512x25x128xf32> to vector<512x1x128xf32>
    %squeeze3A_163 = vector.shape_cast %slice3A_162 : vector<512x1x128xf32> to vector<512x128xf32>
    %dot_general3A_164 = arith.constant dense<0.000000e+00> : vector<128x512xf32>
    %dot_general3A_165 = tpu.matmul %squeeze3A_163, %get3A_4, %dot_general3A_164 {dimension_numbers = #tpu.dot_dimension_numbers<[0], [0], [1], [1], [0, 1, 1, 1], [], []>, transpose_lhs_hint = false} : vector<512x128xf32>, vector<512x512xf32>, vector<128x512xf32> -> vector<128x512xf32>
    %swap3A_166 = arith.constant 2944 : index
    %swap3A_167 = arith.constant 0 : index
    %swap3A_168 = vector.load %arg3[%swap3A_166, %swap3A_167] : memref<3200x512xf32, #tpu.memory_space<vmem>>, vector<128x512xf32>
    tpu.vector_store %arg3[%swap3A_166, %swap3A_167], %dot_general3A_165 {strides = array<i32>} : memref<3200x512xf32, #tpu.memory_space<vmem>>, vector<128x512xf32>,
    %slice3A_169 = vector.extract_strided_slice %reshape3A {offsets = [0, 24, 0], sizes = [512, 1, 128], strides = [1, 1, 1]} : vector<512x25x128xf32> to vector<512x1x128xf32>
    %squeeze3A_170 = vector.shape_cast %slice3A_169 : vector<512x1x128xf32> to vector<512x128xf32>
    %dot_general3A_171 = arith.constant dense<0.000000e+00> : vector<128x512xf32>
    %dot_general3A_172 = tpu.matmul %squeeze3A_170, %get3A_4, %dot_general3A_171 {dimension_numbers = #tpu.dot_dimension_numbers<[0], [0], [1], [1], [0, 1, 1, 1], [], []>, transpose_lhs_hint = false} : vector<512x128xf32>, vector<512x512xf32>, vector<128x512xf32> -> vector<128x512xf32>
    %swap3A_173 = arith.constant 3072 : index
    %swap3A_174 = arith.constant 0 : index
    %swap3A_175 = vector.load %arg3[%swap3A_173, %swap3A_174] : memref<3200x512xf32, #tpu.memory_space<vmem>>, vector<128x512xf32>
    tpu.vector_store %arg3[%swap3A_173, %swap3A_174], %dot_general3A_172 {strides = array<i32>} : memref<3200x512xf32, #tpu.memory_space<vmem>>, vector<128x512xf32>,
    return
  }
  func.func @transform_0(%arg0: i32) -> (i32, i32) {
    %c0_i32 = arith.constant 0 : i32
    %c0_i32_0 = arith.constant 0 : i32
    return %arg0, %c0_i32 : i32, i32
  }
  func.func @transform_1(%arg0: i32) -> (i32, i32) {
    %c0_i32 = arith.constant 0 : i32
    %c0_i32_0 = arith.constant 0 : i32
    %c0_i32_1 = arith.constant 0 : i32
    return %c0_i32, %c0_i32_0 : i32, i32
  }
  func.func @transform_2(%arg0: i32) -> (i32, i32) {
    %c0_i32 = arith.constant 0 : i32
    %c0_i32_0 = arith.constant 0 : i32
    return %c0_i32, %arg0 : i32, i32
  }
}

</mosaic_0001>

<sc_bundles>
// kernel: kernel.6.cloned.1.call-start
scs
__scs_entry_jumppad:
0x0: {  	(pc) =	sbr.rel $0x88, $3  }
0x1: {  	(tag) =	ssettag $0x0;
	lr =	simm.s32 $0x1  }
0x2: {  	[smem:$0x3F9B] =	sst lr;
	_ =	strace $0xD0000000  }
0x3: {  	_ = 	snop  }
0x4: {  	_ = 	snop  }
0x5: {  	_ = 	snop  }
0x6: {  	_ = 	snop  }
0x7: {  	_ = 	snop  }
__scs_overlays_trampoline_lowered:
0x8: {  	[smem:$0x3FAA] =	sst s0  }
0x9: {  	[smem:$0x3FAB] =	sst s1  }
0xa: {  	[smem:$0x3FAC] =	sst s2  }
0xb: {  	[smem:$0x3FAD] =	sst s3  }
0xc: {  	[smem:$0x3FAE] =	sst s4  }
0xd: {  	[smem:$0x3FAF] =	sst s5  }
0xe: {  	[smem:$0x3FB0] =	sst s6  }
0xf: {  	[smem:$0x3FB1] =	sst s7  }
0x10: {  	[smem:$0x3FB2] =	sst s8  }
0x11: {  	[smem:$0x3FB3] =	sst s9;
	s0 =	simm.s32 @!p0 $0x0  }
0x12: {  	s1 =	sld [smem:$0x3F99];
	s0 =	simm.s32 @p0 $0x1  }
0x13: {  	[smem:$0x3FB4] =	sst s0;
	s0 =	simm.s32 @!p1 $0x0  }
0x14: {  	s2 =	sld [smem:$0x3F98];
	s0 =	simm.s32 @p1 $0x1  }
0x15: {  	[smem:$0x3FB5] =	sst s0;
	s0 =	simm.s32 @!p2 $0x0  }
0x16: {  	s3 =	sld [smem:$0x3FDB];
	s0 =	simm.s32 @p2 $0x1  }
0x17: {  	s4 =	simm.s32 $0x1BF5;
	[smem:$0x3FB7] =	sst s0  }
0x18: {  	s0 =	sld [smem:$0x3F9A];
	_ =	swait.ge [sflag:s4], $0x0  }
0x19: {  	s7 =	sld [smem:$0x3F9B]  }
0x1a: {  	s8 =	sadd.s32 $0xFFFFE003, lr  }
0x1b: {  	s9 =	sadd.s32 $0xFFFFFEF7, lr;
	s5 =	simm.s32 $0xFFFFFFFF;
	p2 =	slt.u32 s8, $0xFFFFF086  }
0x1c: {  	p1 =	slt.u32 s9, $0xF7A;
	s5 =	simm.s32 @!p2 $0x0  }
0x1d: {  	s5 =	simm.s32 @p1 $0x1;
	p0 =	seq.s32 s7, s2  }
0x1e: {  	s7 =	smul.u32 @!p0 $0xF7A, s2;
	p2 =	seq.s32 @!p0 s5, $0x0  }
0x1f: {  	s9 =	smul.u32 $0xF7A, s1;
	s8 =	simm.s32 @!p0 $0x1BF5;
	p2 =	por !p2, p0  }
0x20: {  	[sflag:s8] =	ssyncset.s32 @!p0 $0xFFFFF086;
	s6 =	sadd.s32 @!p0 s3, s7;
	s7 =	simm.s32 @!p0 $0x108  }
0x21: {  	s3 =	sadd.s32 s3, s9;
	s6 =	sadd.s32 @!p0 $0x88, s6;
	s7 =	simm.s32 @p2 $0x1082  }
0x22: {  	[simem:s7], [sflag:s8] =	dma.local @!p0 [hbm:s6], $0xF7A  }
0x23: {  	s9 =	sor.u32 $0xD0000000, s2;
	s6 =	simm.s32 $0x108;
	_ =	swait.ge @!p0 [sflag:s8], $0x0  }
0x24: {  	s3 =	sadd.s32 $0x88, s3;
	s6 =	simm.s32 @!p1 $0x1082;
	[sflag:s4] =	ssyncset.s32 $0xFFFFF086  }
0x25: {  	[simem:s6], [sflag:s4] =	dma.local [hbm:s3], $0xF7A  }
0x26: {  	[smem:$0x3F9B] =	sst s1;
	(tag) =	ssettag s2;
	_ =	strace s9  }
0x27: {  	s1 =	sld [smem:$0x3FAB]  }
0x28: {  	s2 =	sld [smem:$0x3FAC]  }
0x29: {  	s4 =	sld [smem:$0x3FAE]  }
0x2a: {  	p0 =	seq.s32 s5, $0x0;
	s5 =	sld [smem:$0x3FAF]  }
0x2b: {  	s6 =	sld [smem:$0x3FB0]  }
0x2c: {  	s7 =	sld [smem:$0x3FB1]  }
0x2d: {  	s3 =	simm.s32 $0x108;
	s8 =	sld [smem:$0x3FB2]  }
0x2e: {  	s3 =	simm.s32 @!p0 $0x1082;
	s9 =	sld [smem:$0x3FB3]  }
0x2f: {  	lr =	sadd.s32 s0, s3;
	s0 =	sld [smem:$0x3FAA]  }
0x30: {  	s3 =	sld [smem:$0x3FAD]  }
0x31: {  	[smem:$0x3FB6] =	sst s10  }
0x32: {  	s10 =	sld [smem:$0x3FB4];
	_ =	sdelay $0x3  }
0x33: {  	p0 =	seq.s32 s10, $0x1;
	s10 =	sld [smem:$0x3FB6];
	_ =	sdelay $0x3  }
0x34: {  	[smem:$0x3FB6] =	sst s10  }
0x35: {  	s10 =	sld [smem:$0x3FB5];
	_ =	sdelay $0x3  }
0x36: {  	p1 =	seq.s32 s10, $0x1;
	s10 =	sld [smem:$0x3FB6];
	_ =	sdelay $0x3  }
0x37: {  	[smem:$0x3FB6] =	sst s10  }
0x38: {  	s10 =	sld [smem:$0x3FB7]  }
0x39: {  	_ = 	snop;
	(pc) =	sbr.ind lr, $3  }
0x3a: {  	_ = 	snop  }
0x3b: {  	_ = 	snop  }
0x3c: {  	p2 =	seq.s32 s10, $0x1;
	s10 =	sld [smem:$0x3FB6]  }
0x3d: {  	_ =	shalt  }
0x3e: {  	_ =	shalt  }
0x3f: {  	_ =	shalt  }
0x40: {  	_ =	shalt  }
0x41: {  	_ =	shalt  }
0x42: {  	_ =	shalt  }
0x43: {  	_ =	shalt  }
0x44: {  	_ =	shalt  }
0x45: {  	_ =	shalt  }
0x46: {  	_ =	shalt  }
0x47: {  	_ =	shalt  }
0x48: {  	_ =	shalt  }
0x49: {  	_ =	shalt  }
0x4a: {  	_ =	shalt  }
0x4b: {  	_ =	shalt  }
0x4c: {  	_ =	shalt  }
0x4d: {  	_ =	shalt  }
0x4e: {  	_ =	shalt  }
0x4f: {  	_ =	shalt  }
0x50: {  	_ =	shalt  }
0x51: {  	_ =	shalt  }
0x52: {  	_ =	shalt  }
0x53: {  	_ =	shalt  }
0x54: {  	_ =	shalt  }
0x55: {  	_ =	shalt  }
0x56: {  	_ =	shalt  }
0x57: {  	_ =	shalt  }
0x58: {  	_ =	shalt  }
0x59: {  	_ =	shalt  }
0x5a: {  	_ =	shalt  }
0x5b: {  	_ =	shalt  }
0x5c: {  	_ =	shalt  }
0x5d: {  	_ =	shalt  }
0x5e: {  	_ =	shalt  }
0x5f: {  	_ =	shalt  }
0x60: {  	_ =	shalt  }
0x61: {  	_ =	shalt  }
0x62: {  	_ =	shalt  }
0x63: {  	_ =	shalt  }
0x64: {  	_ =	shalt  }
0x65: {  	_ =	shalt  }
0x66: {  	_ =	shalt  }
0x67: {  	_ =	shalt  }
0x68: {  	_ =	shalt  }
0x69: {  	_ =	shalt  }
0x6a: {  	_ =	shalt  }
0x6b: {  	_ =	shalt  }
0x6c: {  	_ =	shalt  }
0x6d: {  	_ =	shalt  }
0x6e: {  	_ =	shalt  }
0x6f: {  	_ =	shalt  }
0x70: {  	_ =	shalt  }
0x71: {  	_ =	shalt  }
0x72: {  	_ =	shalt  }
0x73: {  	_ =	shalt  }
0x74: {  	_ =	shalt  }
0x75: {  	_ =	shalt  }
0x76: {  	_ =	shalt  }
0x77: {  	_ =	shalt  }
0x78: {  	_ =	shalt  }
0x79: {  	_ =	shalt  }
0x7a: {  	_ =	shalt  }
0x7b: {  	_ =	shalt  }
0x7c: {  	_ =	shalt  }
0x7d: {  	_ =	shalt  }
0x7e: {  	_ =	shalt  }
0x7f: {  	_ =	shalt  }
0x80: {  	_ =	shalt  }
0x81: {  	_ =	shalt  }
0x82: {  	_ =	shalt  }
0x83: {  	_ =	shalt  }
0x84: {  	_ =	shalt  }
0x85: {  	_ =	shalt  }
0x86: {  	_ =	shalt  }
0x87: {  	_ =	shalt  }
.Lfunc_end0:
.L_simem_size_0:
called_computation_lowered:
.L_overlay_start_0:
0x88: {  	s2 =	sld [smem:$0x3FD9]  }
0x89: {  	s3 =	sld [smem:$0x3FFE];
	_ =	sdelay $0x1  }
0x8a: {  	s1 =	srdreg.scid  }
0x8b: {  	s0 =	sand.u32 $0x1, s1  }
0x8c: {  	s17 =	sshll.u32 s0, $0xA;
	s2 =	sadd.s32 s3, s2  }
0x8d: {  	s2 =	sadd.s32 s2, s17  }
0x8e: {  	[smem:$0x3FC2] =	sst s2  }
0x8f: {  	_ = 	snop  }
0x90: {  	s2 =	sld [smem:$0x3FD0];
	(tm) =	ssettm $0x1  }
0x91: {  	s18 =	sld [smem:$0x3FFB];
	_ =	sdelay $0x3  }
0x92: {  	_ =	strace s18  }
0x93: {  	s3 =	sld [smem:$0x3FFC];
	_ =	sdelay $0x3  }
0x94: {  	_ =	strace s3  }
0x95: {  	s3 =	sld [smem:$0x3FFD];
	_ =	sdelay $0x3  }
0x96: {  	_ =	strace s3  }
0x97: {  	_ =	strace $0x8FFFFFFF  }
0x98: {  	s19 =	sld [smem:$0x3FDB];
	_ =	sdelay $0x1  }
0x99: {  	s4 =	simm.s32 $_scs_section_size  }
0x9a: {  	s5 =	simm.s32 $_size__tile_overlayer_lowered;
	s6 =	simm.s32 $_tile_overlayer_lowered  }
0x9b: {  	s22 =	simm.s32 $0x1BFF;
	s21 =	sshll.u32 s6, $0x1;
	s3 =	sadd.s32 s4, s19  }
0x9c: {  	s7 =	simm.s32 $0x0;
	s20 =	sshll.u32 s5, $0x1;
	s5 =	sadd.s32 s21, s3  }
0x9d: {  	[timem:s7], [sflag:s22] =	dma.local [hbm:s5], s20  }
0x9e: {  	_ =	swait.ge [sflag:s22], s20  }
0x9f: {  	s4 =	ssub.s32 $0x0, s20;
	[sflag:s22] =	ssyncset.done $0x0  }
0xa0: {  	[sflag:s22] =	ssyncadd.s32 s4;
	_ =	sdelay $0x1  }
0xa1: {  	s23 =	simm.s32 $0x1B8B  }
0xa2: {  	_ =	swait.ge [sflag:s23], $0x1  }
0xa3: {  	[sflag:s23] =	ssyncset.done $0x0  }
0xa4: {  	s25 =	simm.s32 $0x1B8E;
	s24 =	sld [smem:$0x3FFE];
	[sflag:s23] =	ssyncadd.s32 $0xFFFFFFFF  }
0xa5: {  	s26 =	simm.s32 $execute0_lowered;
	[smem:$0x3FD2] =	sst s25  }
0xa6: {  	s5 =	sshll.u32 s26, $0x1;
	_ =	strace $0x80000046;
	[dreg:$0x1] =	wrdreg $0xFFFFFFFF  }
0xa7: {  	s28 =	simm.s32 $_size_execute0_lowered;
	s3 =	sadd.s32 s3, s5;
	[dreg:$0x0] =	wrdreg $0x0  }
0xa8: {  	s5 =	sshll.u32 s28, $0x1;
	[dreg:$0x2] =	wrdreg s3  }
0xa9: {  	[dreg:$0x3] =	wrdreg s5  }
0xaa: {  	[dreg:$0x4] =	wrdreg $0xC0  }
0xab: {  	_ =	task [dreg:s7], $0x5FFFF  }
0xac: {  	[dreg:$0x1] =	wrdreg $0xFFFFFFFF  }
0xad: {  	[dreg:$0x0] =	wrdreg $0x60  }
0xae: {  	[dreg:$0x2] =	wrdreg s2  }
0xaf: {  	[dreg:$0x3] =	wrdreg s24  }
0xb0: {  	[dreg:$0x4] =	wrdreg $0x188000  }
0xb1: {  	[dreg:$0x5] =	wrdreg $0x9  }
0xb2: {  	_ =	task.clear_ibuf [dreg:s7], $0x6FFFF;
	_ =	strace $0x90000046  }
0xb3: {  	s29 =	simm.s32 $0x9;
	_ =	strace $0x80000048  }
0xb4: {  	_ =	swait.ge [sflag:s29], $0x1  }
0xb5: {  	[sflag:s29] =	ssyncadd.s32 $0xFFFFFFFF  }
0xb6: {  	_ =	strace $0x90000048  }
0xb7: {  	_ =	sfence  }
0xb8: {  	s30 =	sld [smem:$0x0];
	_ =	sdelay $0x2  }
0xb9: {  	s31 =	sshll.u32 s1, $0xD;
	s1 =	sshrl.u32 s1, $0x2  }
0xba: {  	s3 =	sand.u32 $0x4000, s31;
	s1 =	sadd.s32 s1, s30  }
0xbb: {  	s0 =	sor.u32 s3, s0;
	s1 =	sshll.u32 s1, $0x11  }
0xbc: {  	s0 =	sor.u32 s1, s0  }
0xbd: {  	s0 =	sadd.s32 $0x8F2B, s0  }
0xbe: {  	[sflag:s0] =	ssyncadd.remote.s32 $0x1  }
0xbf: {  	_ =	sfence.sel $0xFFFF  }
0xc0: {  	[dreg:$0x0] =	wrdreg $0xFFFFFFFF;
	(pc) =	sbr.abs _section_cstart, $3  }
0xc1: {  	[dreg:$0x1] =	wrdreg $0xFFFFFFFF  }
0xc2: {  	_ =	task.clear_ibuf [dreg:s7], $0x2FFFF;
	_ =	strace $0x9FFFFFFF  }
0xc3: {  	(tm) =	ssettm $0x7FFFFFFF  }
tec
execute0_lowered:
.L_overlay_start_1:
0x0: {  	(tag) =	ssettag $0x1  }
0x1: {  	s0 =	rddreg [dreg:$0x0]  }
0x2: {  	s1 =	rddreg [dreg:$0x1];
	s3 =	srdreg.scid  }
0x3: {  	s11 =	stileid.u32;
	s2 =	rddreg [dreg:$0x2]  }
0x4: {  	s12 =	simm.s32 $0x6400;
	s14 =	simm.s32 $0x80;
	s17 =	simm.s32 $0xE800  }
0x5: {  	s19 =	simm.s32 $0x12800;
	s20 =	simm.s32 $0x1;
	s21 =	simm.s32 $0x3  }
0x6: {  	s22 =	simm.s32 $0x14800;
	s23 =	simm.s32 $0x2;
	s24 =	simm.s32 $0x4  }
0x7: {  	s25 =	simm.s32 $0x16800;
	s26 =	simm.s32 $0x5;
	s28 =	simm.s32 $0x6  }
0x8: {  	s29 =	simm.s32 $0x0;
	s4 =	sand.u32 $0x1, s3;
	s5 =	sshll.u32 s11, $0x1  }
0x9: {  	s3 =	simm.s32 $0x0;
	p0 =	sne.s32 s11, $0x0;
	s8 =	sor.u32 s4, s5  }
0xa: {  	s11 =	simm.s32 $0x7;
	[smem:$0x7FF] =	sst s3;
	s5 =	smul.u32 $0xC80, s8  }
.Ltmp0:
0xb: {  	s6 =	ssub.s32 $0x2, s4;
	s4 =	sadd.s32 $0xA00, s1;
	(pc) =	sbr.rel .LBB2_1-.Ltmp0, $4  }
0xc: {  	s13 =	sshrl.u32 @!p0 s2, $0x3;
	s9 =	sshrl.u32 s6, $0x1;
	s31 =	smul.u32 $0x6400, s8  }
0xd: {  	_ =	strace $0x80000047;
	s8 =	smul.u32 $0x190000, s8;
	s30 =	ssub.s32 s6, s9  }
0xe: {  	s7 =	sadd.s32 s5, s1;
	s5 =	sadd.s32 $0x34A00, s1;
	s9 =	sor.u32 $0x80, s31  }
0xf: {  	s10 =	smax.u32 s30, $0x1;
	s6 =	sadd.s32 $0x2A00, s7;
	s7 =	sadd.s32 $0x1BA00, s7  }
.LBB2_8:
0x10: {  	s29 =	sadd.s32 $0x1, s29  }
0x11: {  	_ =	swait.ge [sflag:s26], $0x2000;
	p1 =	sne.s32 s29, s10  }
.Ltmp1:
0x12: {  	[sflag:s26] =	ssyncset.done $0x0;
	(pc) =	sbr.rel @!p1 .LBB2_9-.Ltmp1, $4  }
0x13: {  	[sflag:s26] =	ssyncadd.s32 $0xFFFFE000  }
0x14: {  	_ =	swait.ge [sflag:s28], $0x2000  }
0x15: {  	[sflag:s28] =	ssyncset.done $0x0  }
0x16: {  	[sflag:s28] =	ssyncadd.s32 $0xFFFFE000  }
.LBB2_1:
0x17: {  	[tilespmem:s3], [sflag:$0x7] =	stream.linear.gather [hbm4b:s6+s3], $0x6400, $0x38;
	[tilespmem:$0x197A0] =	vst v63  }
0x18: {  	_ =	swait.ge [sflag:s11], $0x6400  }
0x19: {  	[sflag:s11] =	ssyncset.done $0x0  }
0x1a: {  	[sflag:s11] =	ssyncadd.s32 $0xFFFF9C00  }
0x1b: {  	[tilespmem:s12], [sflag:$0x7] =	stream.linear.gather [hbm4b:s7+s3], $0x6400, $0x38;
	[tilespmem:$0x197A0] =	vst v63  }
0x1c: {  	_ =	swait.ge [sflag:s11], $0x6400  }
0x1d: {  	[sflag:s11] =	ssyncset.done $0x0  }
0x1e: {  	s1 =	simm.s32 @!p0 $0x1C07;
	[sflag:s11] =	ssyncadd.s32 $0xFFFF9C00  }
0x1f: {  	[spmem:s13], [sflag:s1] =	dma.local @!p0 [hbm:s4], $0x1F40  }
0x20: {  	s1 =	simm.s32 @!p0 $0x7  }
0x21: {  	_ =	swait.ge @!p0 [sflag:s1], $0x1F40  }
0x22: {  	[sflag:s1] =	ssyncset.done @!p0 $0x0  }
0x23: {  	[sflag:s1] =	ssyncadd.s32 @!p0 $0xFFFFE0C0  }
0x24: {  	s16 =	simm.s32 $0xC800;
	[bflag:$0x0] =	sbarrier.arrive $0xFFFF  }
0x25: {  	[tilespmem:s16], [sflag:$0x1] =	stream.indirect.gather [hbm4b:s0+s14], $0x40, s3, s14, $0xb8;
	[tilespmem:$0x197A0] =	vst v63  }
0x26: {  	s18 =	simm.s32 $0x10800  }
0x27: {  	[tilespmem:s18], [sflag:$0x3] =	stream.indirect.gather [spmem:s2], $0x40, s12, s14, $0xb8;
	[tilespmem:$0x197A0] =	vst v63  }
0x28: {  	_ = 	snop  }
0x29: {  	[tilespmem:s17], [sflag:$0x2] =	stream.indirect.gather [hbm4b:s0+s14], $0x40, s14, s14, $0xb8;
	[tilespmem:$0x197A0] =	vst v63  }
0x2a: {  	s31 =	simm.s32 $0x6480;
	s30 =	simm.s32 $0x0  }
0x2b: {  	[tilespmem:s19], [sflag:$0x4] =	stream.indirect.gather [spmem:s2], $0x40, s31, s14, $0xb8;
	[tilespmem:$0x197A0] =	vst v63  }
.LBB2_2:
0x2c: {  	_ =	swait.ge [sflag:s20], $0x2000  }
0x2d: {  	[sflag:s20] =	ssyncset.done $0x0  }
0x2e: {  	[sflag:s20] =	ssyncadd.s32 $0xFFFFE000  }
0x2f: {  	_ =	swait.ge [sflag:s21], $0x2000  }
0x30: {  	p1 =	seq.s32 s30, $0x0;
	[sflag:s21] =	ssyncset.done $0x0  }
0x31: {  	s1 =	simm.s32 @!p1 $0x5;
	[sflag:s21] =	ssyncadd.s32 $0xFFFFE000  }
0x32: {  	_ =	swait.ge @!p1 [sflag:s1], $0x2000  }
0x33: {  	[sflag:s1] =	ssyncset.done @!p1 $0x0  }
0x34: {  	s16 =	simm.s32 $0xCA00;
	[sflag:s1] =	ssyncadd.s32 @!p1 $0xFFFFE000  }
0x35: {  	s15 =	simm.s32 $0x10A00;
	v0 =	vld [tilespmem:s16+$0x1C0]  }
0x36: {  	v1 =	vld [tilespmem:s15+$0x1C0]  }
0x37: {  	v2 =	vld [tilespmem:s15+$0xFFFFFE00]  }
0x38: {  	v3 =	vld [tilespmem:s16+$0xFFFFFE40]  }
0x39: {  	v4 =	vld [tilespmem:s15+$0xFFFFFE40]  }
0x3a: {  	v5 =	vld [tilespmem:s16+$0xFFFFFE80]  }
0x3b: {  	v6 =	vld [tilespmem:s15+$0xFFFFFE80]  }
0x3c: {  	v7 =	vld [tilespmem:s16+$0xFFFFFEC0]  }
0x3d: {  	v8 =	vld [tilespmem:s15+$0xFFFFFEC0]  }
0x3e: {  	v9 =	vld [tilespmem:s16+$0xFFFFFF00]  }
0x3f: {  	v10 =	vld [tilespmem:s15+$0xFFFFFF00]  }
0x40: {  	v11 =	vld [tilespmem:s16+$0xFFFFFF40]  }
0x41: {  	v12 =	vld [tilespmem:s15+$0xFFFFFF40]  }
0x42: {  	v13 =	vld [tilespmem:s16+$0xFFFFFF80]  }
0x43: {  	v14 =	vld [tilespmem:s15+$0xFFFFFF80]  }
0x44: {  	v15 =	vld [tilespmem:s16+$0xFFFFFFC0]  }
0x45: {  	v16 =	vld [tilespmem:s15+$0xFFFFFFC0]  }
0x46: {  	v17 =	vld [tilespmem:s16+$0x0]  }
0x47: {  	v18 =	vld [tilespmem:s15+$0x0]  }
0x48: {  	v19 =	vld [tilespmem:s16+$0x40]  }
0x49: {  	v20 =	vld [tilespmem:s15+$0x40]  }
0x4a: {  	v21 =	vld [tilespmem:s16+$0x80]  }
0x4b: {  	v22 =	vld [tilespmem:s15+$0x80]  }
0x4c: {  	v23 =	vld [tilespmem:s16+$0xC0]  }
0x4d: {  	v24 =	vld [tilespmem:s15+$0xC0]  }
0x4e: {  	v25 =	vld [tilespmem:s16+$0x100]  }
0x4f: {  	v26 =	vld [tilespmem:s15+$0x100]  }
0x50: {  	v27 =	vld [tilespmem:s16+$0x140]  }
0x51: {  	v28 =	vld [tilespmem:s15+$0x140];
	v0 =	vadd.f32 v1, v0  }
0x52: {  	s1 =	simm.s32 $0x14A00;
	v29 =	vld [tilespmem:s15+$0x180];
	v3 =	vadd.f32 v4, v3  }
0x53: {  	v4 =	vld [tilespmem:s16+$0x180];
	[tilespmem:s1+$0x1C0] =	vst v0  }
0x54: {  	[tilespmem:s1+$0xFFFFFE40] =	vst v3;
	v3 =	vadd.f32 v6, v5;
	v5 =	vld [tilespmem:s16+$0xFFFFFE00]  }
0x55: {  	v62 =	vadd.f32 v12, v11;
	v0 =	vld [tilespmem:s16+$0x1D0]  }
0x56: {  	v1 =	vld [tilespmem:s15+$0x1D0]  }
0x57: {  	v33 =	vadd.f32 v14, v13;
	[tilespmem:s1+$0xFFFFFF40] =	vst v62;
	v6 =	vld [tilespmem:s16+$0xFFFFFE50]  }
0x58: {  	v35 =	vld [tilespmem:s16+$0xFFFFFF50]  }
0x59: {  	v36 =	vadd.f32 v16, v15;
	[tilespmem:s1+$0xFFFFFF80] =	vst v33;
	v37 =	vld [tilespmem:s15+$0xFFFFFF50]  }
0x5a: {  	v38 =	vld [tilespmem:s16+$0xFFFFFF90]  }
0x5b: {  	v39 =	vadd.f32 v18, v17;
	[tilespmem:s1+$0xFFFFFFC0] =	vst v36;
	v40 =	vld [tilespmem:s15+$0xFFFFFF90]  }
0x5c: {  	v41 =	vld [tilespmem:s16+$0xFFFFFFD0]  }
0x5d: {  	v42 =	vadd.f32 v20, v19;
	[tilespmem:s1+$0x0] =	vst v39;
	v43 =	vld [tilespmem:s15+$0xFFFFFFD0]  }
0x5e: {  	v44 =	vld [tilespmem:s16+$0x10]  }
0x5f: {  	v45 =	vadd.f32 v22, v21;
	[tilespmem:s1+$0x40] =	vst v42;
	v46 =	vld [tilespmem:s15+$0x10]  }
0x60: {  	v47 =	vld [tilespmem:s16+$0x50]  }
0x61: {  	v48 =	vadd.f32 v24, v23;
	[tilespmem:s1+$0x80] =	vst v45;
	v49 =	vld [tilespmem:s15+$0x50]  }
0x62: {  	v50 =	vld [tilespmem:s16+$0x90]  }
0x63: {  	v51 =	vadd.f32 v26, v25;
	[tilespmem:s1+$0xC0] =	vst v48;
	v52 =	vld [tilespmem:s15+$0x90]  }
0x64: {  	v53 =	vld [tilespmem:s16+$0xD0]  }
0x65: {  	v54 =	vadd.f32 v28, v27;
	[tilespmem:s1+$0x100] =	vst v51;
	v55 =	vld [tilespmem:s15+$0xD0]  }
0x66: {  	v56 =	vld [tilespmem:s16+$0x110]  }
0x67: {  	[tilespmem:s1+$0x140] =	vst v54;
	v57 =	vld [tilespmem:s15+$0x110]  }
0x68: {  	v58 =	vld [tilespmem:s16+$0x150]  }
0x69: {  	v59 =	vld [tilespmem:s15+$0x150]  }
0x6a: {  	[tilespmem:s1+$0xFFFFFE80] =	vst v3;
	v3 =	vadd.f32 v8, v7;
	v7 =	vld [tilespmem:s15+$0xFFFFFE50]  }
0x6b: {  	v8 =	vld [tilespmem:s16+$0xFFFFFE90];
	v4 =	vadd.f32 v29, v4  }
0x6c: {  	v61 =	vld [tilespmem:s15+$0xFFFFFE90];
	[tilespmem:s1+$0xFFFFFEC0] =	vst v3;
	v3 =	vadd.f32 v10, v9  }
0x6d: {  	v2 =	vadd.f32 v2, v5;
	v5 =	vld [tilespmem:s16+$0xFFFFFED0];
	[tilespmem:s1+$0x180] =	vst v4  }
0x6e: {  	[tilespmem:s1+$0xFFFFFF00] =	vst v3;
	v3 =	vld [tilespmem:s15+$0xFFFFFED0]  }
0x6f: {  	v60 =	vld [tilespmem:s16+$0x190]  }
0x70: {  	[tilespmem:s1+$0xFFFFFE00] =	vst v2;
	v2 =	vld [tilespmem:s16+$0xFFFFFF10]  }
0x71: {  	v0 =	vadd.f32 v1, v0;
	v34 =	vld [tilespmem:s15+$0xFFFFFF10]  }
0x72: {  	v63 =	vld [tilespmem:s16+$0xFFFFFE10]  }
0x73: {  	v6 =	vadd.f32 v7, v6;
	[tilespmem:s1+$0x1D0] =	vst v0;
	v32 =	vld [tilespmem:s15+$0xFFFFFE10]  }
0x74: {  	v0 =	vld [tilespmem:s16+$0x1E0]  }
0x75: {  	v1 =	vld [tilespmem:s15+$0x1E0];
	[tilespmem:s1+$0xFFFFFE50] =	vst v6;
	v6 =	vadd.f32 v61, v8  }
0x76: {  	v61 =	vld [tilespmem:s16+$0xFFFFFE60]  }
0x77: {  	[tilespmem:s1+$0xFFFFFE90] =	vst v6;
	v3 =	vadd.f32 v3, v5;
	v5 =	vld [tilespmem:s15+$0xFFFFFE60]  }
0x78: {  	v6 =	vld [tilespmem:s16+$0xFFFFFEA0]  }
0x79: {  	v2 =	vadd.f32 v34, v2;
	[tilespmem:s1+$0xFFFFFED0] =	vst v3;
	v3 =	vld [tilespmem:s15+$0xFFFFFEA0]  }
0x7a: {  	v4 =	vadd.f32 v32, v63;
	v62 =	vld [tilespmem:s16+$0xFFFFFEE0]  }
0x7b: {  	[tilespmem:s1+$0xFFFFFF10] =	vst v2;
	v63 =	vld [tilespmem:s15+$0xFFFFFEE0]  }
0x7c: {  	[tilespmem:s1+$0xFFFFFE10] =	vst v4;
	v4 =	vld [tilespmem:s15+$0x190]  }
0x7d: {  	v32 =	vld [tilespmem:s16+$0xFFFFFF20]  }
0x7e: {  	v0 =	vadd.f32 v1, v0;
	v33 =	vld [tilespmem:s15+$0xFFFFFF20]  }
0x7f: {  	v7 =	vld [tilespmem:s16+$0xFFFFFE20]  }
0x80: {  	v2 =	vadd.f32 v37, v35;
	[tilespmem:s1+$0x1E0] =	vst v0;
	v8 =	vld [tilespmem:s15+$0xFFFFFE20]  }
0x81: {  	v0 =	vld [tilespmem:s16+$0x1F0]  }
0x82: {  	[tilespmem:s1+$0xFFFFFF50] =	vst v2;
	v2 =	vadd.f32 v40, v38;
	v1 =	vld [tilespmem:s15+$0x1F0]  }
0x83: {  	v34 =	vld [tilespmem:s16+$0xFFFFFF60]  }
0x84: {  	v5 =	vadd.f32 v5, v61;
	v35 =	vld [tilespmem:s15+$0xFFFFFF60];
	[tilespmem:s1+$0xFFFFFF90] =	vst v2  }
0x85: {  	v36 =	vld [tilespmem:s16+$0xFFFFFFA0]  }
0x86: {  	v2 =	vadd.f32 v43, v41;
	[tilespmem:s1+$0xFFFFFE60] =	vst v5;
	v37 =	vld [tilespmem:s15+$0xFFFFFFA0]  }
0x87: {  	v3 =	vadd.f32 v3, v6;
	v6 =	vld [tilespmem:s16+$0xFFFFFE70]  }
0x88: {  	v51 =	vld [tilespmem:s15+$0xFFFFFE70];
	[tilespmem:s1+$0xFFFFFFD0] =	vst v2;
	v2 =	vadd.f32 v46, v44  }
0x89: {  	[tilespmem:s1+$0xFFFFFEA0] =	vst v3;
	v38 =	vld [tilespmem:s16+$0xFFFFFFE0]  }
0x8a: {  	v3 =	vadd.f32 v63, v62;
	v39 =	vld [tilespmem:s15+$0xFFFFFFE0];
	[tilespmem:s1+$0x10] =	vst v2  }
0x8b: {  	v40 =	vld [tilespmem:s16+$0x20]  }
0x8c: {  	v7 =	vadd.f32 v8, v7;
	[tilespmem:s1+$0xFFFFFEE0] =	vst v3;
	v41 =	vld [tilespmem:s15+$0x20]  }
0x8d: {  	v2 =	vadd.f32 v49, v47;
	v0 =	vadd.f32 v1, v0;
	v1 =	vld [tilespmem:s16+$0xFFFFFEF0]  }
0x8e: {  	[tilespmem:s1+$0xFFFFFE20] =	vst v7;
	v54 =	vld [tilespmem:s15+$0xFFFFFEF0]  }
0x8f: {  	[tilespmem:s1+$0x50] =	vst v2;
	v2 =	vadd.f32 v52, v50;
	v50 =	vld [tilespmem:s16+$0xFFFFFE30]  }
0x90: {  	v5 =	vld [tilespmem:s15+$0xFFFFFE30]  }
0x91: {  	v3 =	vadd.f32 v33, v32;
	v52 =	vld [tilespmem:s16+$0xFFFFFEB0]  }
0x92: {  	v42 =	vld [tilespmem:s16+$0x60]  }
0x93: {  	[tilespmem:s1+$0xFFFFFF20] =	vst v3;
	v43 =	vld [tilespmem:s15+$0x60]  }
0x94: {  	[tilespmem:s1+$0x90] =	vst v2;
	v2 =	vadd.f32 v55, v53;
	v53 =	vld [tilespmem:s15+$0xFFFFFEB0]  }
0x95: {  	v3 =	vadd.f32 v35, v34;
	v55 =	vld [tilespmem:s16+$0xFFFFFF30]  }
0x96: {  	v44 =	vld [tilespmem:s16+$0xA0]  }
0x97: {  	[tilespmem:s1+$0xFFFFFF60] =	vst v3;
	v45 =	vld [tilespmem:s15+$0xA0]  }
0x98: {  	[tilespmem:s1+$0xD0] =	vst v2;
	v2 =	vadd.f32 v57, v56;
	v56 =	vld [tilespmem:s15+$0xFFFFFF30]  }
0x99: {  	v57 =	vld [tilespmem:s16+$0xFFFFFF70]  }
0x9a: {  	v46 =	vld [tilespmem:s16+$0xE0]  }
0x9b: {  	v47 =	vld [tilespmem:s15+$0xE0]  }
0x9c: {  	[tilespmem:s1+$0x110] =	vst v2;
	v2 =	vadd.f32 v59, v58;
	v58 =	vld [tilespmem:s15+$0xFFFFFF70]  }
0x9d: {  	[tilespmem:s1+$0x1F0] =	vst v0;
	v3 =	vadd.f32 v39, v38;
	v48 =	vld [tilespmem:s16+$0x120]  }
0x9e: {  	[tilespmem:s1+$0x150] =	vst v2;
	v2 =	vadd.f32 v4, v60;
	v4 =	vld [tilespmem:s15+$0x120]  }
0x9f: {  	v0 =	vadd.f32 v37, v36;
	[tilespmem:s1+$0xFFFFFFE0] =	vst v3;
	v49 =	vld [tilespmem:s16+$0x160]  }
0xa0: {  	v3 =	vadd.f32 v43, v42;
	[tilespmem:s1+$0x190] =	vst v2;
	v2 =	vld [tilespmem:s15+$0x160]  }
0xa1: {  	[tilespmem:s1+$0xFFFFFFA0] =	vst v0;
	v0 =	vadd.f32 v41, v40;
	v8 =	vld [tilespmem:s16+$0x1A0]  }
0xa2: {  	[tilespmem:s1+$0x60] =	vst v3;
	v3 =	vadd.f32 v47, v46;
	v7 =	vld [tilespmem:s15+$0x1A0]  }
0xa3: {  	[tilespmem:s1+$0x20] =	vst v0;
	v59 =	vld [tilespmem:s16+$0xFFFFFFB0];
	v0 =	vadd.f32 v45, v44  }
0xa4: {  	[tilespmem:s1+$0xE0] =	vst v3;
	v3 =	vld [tilespmem:s15+$0xFFFFFFF0]  }
0xa5: {  	[tilespmem:s1+$0xA0] =	vst v0;
	v0 =	vadd.f32 v4, v48;
	v4 =	vld [tilespmem:s16+$0xFFFFFFF0]  }
0xa6: {  	v60 =	vld [tilespmem:s15+$0xFFFFFFB0];
	v2 =	vadd.f32 v2, v49  }
0xa7: {  	v61 =	vld [tilespmem:s16+$0xB0];
	[tilespmem:s1+$0x120] =	vst v0;
	v0 =	vadd.f32 v7, v8  }
0xa8: {  	v62 =	vld [tilespmem:s16+$0xF0];
	[tilespmem:s1+$0x160] =	vst v2;
	v2 =	vadd.f32 v5, v50  }
0xa9: {  	v7 =	vld [tilespmem:s16+$0x30];
	[tilespmem:s1+$0x1A0] =	vst v0;
	v0 =	vadd.f32 v51, v6  }
0xaa: {  	v8 =	vld [tilespmem:s15+$0x70];
	v4 =	vadd.f32 v3, v4;
	[tilespmem:s1+$0xFFFFFE30] =	vst v2  }
0xab: {  	v5 =	vld [tilespmem:s15+$0x30];
	v2 =	vadd.f32 v53, v52;
	[tilespmem:s1+$0xFFFFFE70] =	vst v0  }
0xac: {  	v6 =	vld [tilespmem:s16+$0x70];
	v0 =	vadd.f32 v54, v1;
	[tilespmem:s1+$0xFFFFFFF0] =	vst v4  }
0xad: {  	v1 =	vadd.f32 v56, v55;
	[tilespmem:s1+$0xFFFFFEB0] =	vst v2;
	v2 =	vld [tilespmem:s15+$0xB0]  }
0xae: {  	v63 =	vld [tilespmem:s15+$0xF0];
	[tilespmem:s1+$0xFFFFFEF0] =	vst v0;
	v0 =	vadd.f32 v58, v57  }
0xaf: {  	v3 =	vld [tilespmem:s15+$0x130];
	[tilespmem:s1+$0xFFFFFF30] =	vst v1;
	v1 =	vadd.f32 v60, v59  }
0xb0: {  	v5 =	vadd.f32 v5, v7;
	[tilespmem:s1+$0xFFFFFF70] =	vst v0;
	v0 =	vld [tilespmem:s16+$0x130]  }
0xb1: {  	v4 =	vld [tilespmem:s15+$0x170];
	v6 =	vadd.f32 v8, v6;
	[tilespmem:s1+$0xFFFFFFB0] =	vst v1  }
0xb2: {  	v1 =	vld [tilespmem:s16+$0x170];
	[tilespmem:s1+$0x30] =	vst v5;
	v5 =	vadd.f32 v2, v61  }
0xb3: {  	[tilespmem:s1+$0x70] =	vst v6;
	v6 =	vadd.f32 v63, v62;
	v2 =	vld [tilespmem:s16+$0x1B0]  }
0xb4: {  	s31 =	sshll.u32 s30, $0x8;
	s18 =	simm.s32 $0xCE00;
	s16 =	simm.s32 $0x0;
	[tilespmem:s1+$0xB0] =	vst v5;
	v5 =	vld [tilespmem:s15+$0x1B0]  }
.LBB2_3:
0xb5: {  	v7 =	vld [tilespmem:s18+$0x1C0];
	[tilespmem:s1+$0xF0] =	vst v6;
	v0 =	vadd.f32 v3, v0;
	s15 =	sadd.s32 $0x400, s15  }
0xb6: {  	v3 =	vld [tilespmem:s15+$0x1C0]  }
0xb7: {  	v6 =	vld [tilespmem:s15+$0xFFFFFE00];
	[tilespmem:s1+$0x130] =	vst v0;
	v0 =	vadd.f32 v4, v1  }
0xb8: {  	v1 =	vld [tilespmem:s18+$0xFFFFFE40]  }
0xb9: {  	s16 =	sadd.s32 $0x10, s16;
	v4 =	vld [tilespmem:s15+$0xFFFFFE40];
	[tilespmem:s1+$0x170] =	vst v0;
	v0 =	vadd.f32 v5, v2  }
0xba: {  	p2 =	slt.u32 s16, $0x70;
	v2 =	vld [tilespmem:s18+$0xFFFFFE80]  }
0xbb: {  	v5 =	vld [tilespmem:s15+$0xFFFFFE80];
	v3 =	vadd.f32 v3, v7;
	[tilespmem:s1+$0x1B0] =	vst v0  }
0xbc: {  	s1 =	sadd.s32 $0x400, s1;
	v0 =	vld [tilespmem:s18+$0xFFFFFEC0]  }
0xbd: {  	v7 =	vld [tilespmem:s15+$0xFFFFFEC0];
	[tilespmem:s1+$0x1C0] =	vst v3  }
0xbe: {  	v1 =	vadd.f32 v4, v1;
	v3 =	vld [tilespmem:s18+$0x1D0]  }
0xbf: {  	v4 =	vld [tilespmem:s15+$0x1D0]  }
0xc0: {  	[tilespmem:s1+$0xFFFFFE40] =	vst v1;
	v1 =	vadd.f32 v5, v2;
	v2 =	vld [tilespmem:s18+$0xFFFFFF00]  }
0xc1: {  	v5 =	vld [tilespmem:s15+$0xFFFFFF00]  }
0xc2: {  	[tilespmem:s1+$0xFFFFFE80] =	vst v1;
	v0 =	vadd.f32 v7, v0;
	v1 =	vld [tilespmem:s18+$0xFFFFFF40]  }
0xc3: {  	v7 =	vld [tilespmem:s15+$0xFFFFFF40]  }
0xc4: {  	[tilespmem:s1+$0xFFFFFEC0] =	vst v0;
	v0 =	vld [tilespmem:s18+$0xFFFFFF80];
	v3 =	vadd.f32 v4, v3  }
0xc5: {  	v4 =	vld [tilespmem:s15+$0xFFFFFF80]  }
0xc6: {  	v2 =	vadd.f32 v5, v2;
	v5 =	vld [tilespmem:s18+$0xFFFFFFC0];
	[tilespmem:s1+$0x1D0] =	vst v3  }
0xc7: {  	v3 =	vld [tilespmem:s18+$0x1E0]  }
0xc8: {  	[tilespmem:s1+$0xFFFFFF00] =	vst v2;
	v1 =	vadd.f32 v7, v1;
	v2 =	vld [tilespmem:s15+$0x1E0]  }
0xc9: {  	v7 =	vld [tilespmem:s15+$0xFFFFFFC0]  }
0xca: {  	[tilespmem:s1+$0xFFFFFF40] =	vst v1;
	v0 =	vadd.f32 v4, v0;
	v1 =	vld [tilespmem:s18+$0x0]  }
0xcb: {  	v4 =	vld [tilespmem:s15+$0x0]  }
0xcc: {  	[tilespmem:s1+$0xFFFFFF80] =	vst v0;
	v0 =	vld [tilespmem:s18+$0x40]  }
0xcd: {  	v8 =	vld [tilespmem:s15+$0x40];
	v2 =	vadd.f32 v2, v3  }
0xce: {  	v3 =	vadd.f32 v7, v5;
	v5 =	vld [tilespmem:s18+$0x80]  }
0xcf: {  	v7 =	vld [tilespmem:s15+$0x80];
	[tilespmem:s1+$0x1E0] =	vst v2  }
0xd0: {  	[tilespmem:s1+$0xFFFFFFC0] =	vst v3;
	v1 =	vadd.f32 v4, v1;
	v2 =	vld [tilespmem:s18+$0x1F0]  }
0xd1: {  	v3 =	vld [tilespmem:s15+$0x1F0]  }
0xd2: {  	[tilespmem:s1+$0x0] =	vst v1;
	v0 =	vadd.f32 v8, v0;
	v1 =	vld [tilespmem:s18+$0xC0]  }
0xd3: {  	v4 =	vld [tilespmem:s15+$0xC0]  }
0xd4: {  	[tilespmem:s1+$0x40] =	vst v0;
	v0 =	vadd.f32 v7, v5;
	v5 =	vld [tilespmem:s18+$0x100]  }
0xd5: {  	v7 =	vld [tilespmem:s15+$0x100]  }
0xd6: {  	[tilespmem:s1+$0x80] =	vst v0;
	v0 =	vld [tilespmem:s18+$0x140];
	v2 =	vadd.f32 v3, v2  }
0xd7: {  	v3 =	vld [tilespmem:s15+$0x140]  }
0xd8: {  	v1 =	vadd.f32 v4, v1;
	v4 =	vld [tilespmem:s18+$0x180];
	[tilespmem:s1+$0x1F0] =	vst v2  }
0xd9: {  	v2 =	vld [tilespmem:s15+$0x180]  }
0xda: {  	v8 =	vld [tilespmem:s18+$0xFFFFFE00];
	[tilespmem:s1+$0xC0] =	vst v1;
	v1 =	vadd.f32 v7, v5  }
0xdb: {  	v5 =	vld [tilespmem:s18+$0xFFFFFE50]  }
0xdc: {  	v7 =	vld [tilespmem:s15+$0xFFFFFE50];
	[tilespmem:s1+$0x100] =	vst v1;
	v0 =	vadd.f32 v3, v0  }
0xdd: {  	v1 =	vld [tilespmem:s18+$0xFFFFFE90]  }
0xde: {  	v3 =	vld [tilespmem:s15+$0xFFFFFE90];
	[tilespmem:s1+$0x140] =	vst v0;
	v0 =	vadd.f32 v2, v4  }
0xdf: {  	v2 =	vadd.f32 v6, v8;
	v4 =	vld [tilespmem:s18+$0xFFFFFED0]  }
0xe0: {  	v6 =	vld [tilespmem:s15+$0xFFFFFED0];
	[tilespmem:s1+$0x180] =	vst v0  }
0xe1: {  	[tilespmem:s1+$0xFFFFFE00] =	vst v2;
	v0 =	vadd.f32 v7, v5;
	v2 =	vld [tilespmem:s18+$0xFFFFFF10]  }
0xe2: {  	v5 =	vld [tilespmem:s18+$0xFFFFFE10]  }
0xe3: {  	v7 =	vld [tilespmem:s15+$0xFFFFFE10];
	[tilespmem:s1+$0xFFFFFE50] =	vst v0;
	v0 =	vadd.f32 v3, v1  }
0xe4: {  	v1 =	vld [tilespmem:s15+$0xFFFFFF10]  }
0xe5: {  	[tilespmem:s1+$0xFFFFFE90] =	vst v0;
	v0 =	vadd.f32 v6, v4;
	v3 =	vld [tilespmem:s18+$0xFFFFFF50]  }
0xe6: {  	v4 =	vld [tilespmem:s15+$0xFFFFFF50]  }
0xe7: {  	[tilespmem:s1+$0xFFFFFED0] =	vst v0;
	v0 =	vld [tilespmem:s18+$0xFFFFFF90]  }
0xe8: {  	v5 =	vadd.f32 v7, v5;
	v6 =	vld [tilespmem:s15+$0xFFFFFF90]  }
0xe9: {  	v1 =	vadd.f32 v1, v2;
	v2 =	vld [tilespmem:s18+$0xFFFFFFD0]  }
0xea: {  	[tilespmem:s1+$0xFFFFFE10] =	vst v5;
	v5 =	vld [tilespmem:s15+$0xFFFFFFD0]  }
0xeb: {  	[tilespmem:s1+$0xFFFFFF10] =	vst v1;
	v1 =	vadd.f32 v4, v3;
	v3 =	vld [tilespmem:s18+$0x10]  }
0xec: {  	v4 =	vld [tilespmem:s15+$0x10]  }
0xed: {  	[tilespmem:s1+$0xFFFFFF50] =	vst v1;
	v0 =	vadd.f32 v6, v0;
	v1 =	vld [tilespmem:s18+$0x50]  }
0xee: {  	v6 =	vld [tilespmem:s15+$0x50]  }
0xef: {  	[tilespmem:s1+$0xFFFFFF90] =	vst v0;
	v0 =	vadd.f32 v5, v2;
	v2 =	vld [tilespmem:s18+$0x90]  }
0xf0: {  	v5 =	vld [tilespmem:s15+$0x90]  }
0xf1: {  	[tilespmem:s1+$0xFFFFFFD0] =	vst v0;
	v0 =	vadd.f32 v4, v3;
	v3 =	vld [tilespmem:s18+$0xD0]  }
0xf2: {  	v4 =	vld [tilespmem:s15+$0xD0]  }
0xf3: {  	[tilespmem:s1+$0x10] =	vst v0;
	v0 =	vadd.f32 v6, v1;
	v1 =	vld [tilespmem:s18+$0x110]  }
0xf4: {  	v6 =	vld [tilespmem:s15+$0x110]  }
0xf5: {  	[tilespmem:s1+$0x50] =	vst v0;
	v0 =	vadd.f32 v5, v2;
	v2 =	vld [tilespmem:s18+$0x150]  }
0xf6: {  	v5 =	vld [tilespmem:s15+$0x150]  }
0xf7: {  	[tilespmem:s1+$0x90] =	vst v0;
	v0 =	vadd.f32 v4, v3;
	v3 =	vld [tilespmem:s18+$0x190]  }
0xf8: {  	v4 =	vld [tilespmem:s15+$0x190]  }
0xf9: {  	v7 =	vld [tilespmem:s18+$0xFFFFFE20];
	[tilespmem:s1+$0xD0] =	vst v0;
	v0 =	vadd.f32 v6, v1  }
0xfa: {  	v1 =	vld [tilespmem:s15+$0xFFFFFE20]  }
0xfb: {  	v6 =	vld [tilespmem:s18+$0xFFFFFE60];
	[tilespmem:s1+$0x110] =	vst v0;
	v0 =	vadd.f32 v5, v2  }
0xfc: {  	v2 =	vld [tilespmem:s15+$0xFFFFFE60]  }
0xfd: {  	v5 =	vld [tilespmem:s18+$0xFFFFFEA0];
	[tilespmem:s1+$0x150] =	vst v0;
	v0 =	vadd.f32 v4, v3  }
0xfe: {  	v3 =	vld [tilespmem:s15+$0xFFFFFEA0]  }
0xff: {  	v1 =	vadd.f32 v1, v7;
	v4 =	vld [tilespmem:s18+$0xFFFFFEE0];
	[tilespmem:s1+$0x190] =	vst v0  }
0x100: {  	v0 =	vld [tilespmem:s15+$0xFFFFFEE0]  }
0x101: {  	[tilespmem:s1+$0xFFFFFE20] =	vst v1;
	v1 =	vadd.f32 v2, v6;
	v2 =	vld [tilespmem:s18+$0xFFFFFF20]  }
0x102: {  	v6 =	vld [tilespmem:s15+$0xFFFFFF20]  }
0x103: {  	[tilespmem:s1+$0xFFFFFE60] =	vst v1;
	v1 =	vadd.f32 v3, v5;
	v3 =	vld [tilespmem:s18+$0xFFFFFF60]  }
0x104: {  	v5 =	vld [tilespmem:s15+$0xFFFFFF60]  }
0x105: {  	[tilespmem:s1+$0xFFFFFEA0] =	vst v1;
	v0 =	vadd.f32 v0, v4;
	v1 =	vld [tilespmem:s18+$0xFFFFFFA0]  }
0x106: {  	v4 =	vld [tilespmem:s15+$0xFFFFFFA0]  }
0x107: {  	[tilespmem:s1+$0xFFFFFEE0] =	vst v0;
	v0 =	vadd.f32 v6, v2;
	v2 =	vld [tilespmem:s18+$0xFFFFFFE0]  }
0x108: {  	v6 =	vld [tilespmem:s15+$0xFFFFFFE0]  }
0x109: {  	[tilespmem:s1+$0xFFFFFF20] =	vst v0;
	v0 =	vadd.f32 v5, v3;
	v3 =	vld [tilespmem:s18+$0x20]  }
0x10a: {  	v5 =	vld [tilespmem:s15+$0x20]  }
0x10b: {  	[tilespmem:s1+$0xFFFFFF60] =	vst v0;
	v0 =	vadd.f32 v4, v1;
	v1 =	vld [tilespmem:s18+$0x60]  }
0x10c: {  	v4 =	vld [tilespmem:s15+$0x60]  }
0x10d: {  	[tilespmem:s1+$0xFFFFFFA0] =	vst v0;
	v0 =	vadd.f32 v6, v2;
	v2 =	vld [tilespmem:s18+$0xA0]  }
0x10e: {  	v6 =	vld [tilespmem:s15+$0xA0]  }
0x10f: {  	[tilespmem:s1+$0xFFFFFFE0] =	vst v0;
	v0 =	vadd.f32 v5, v3;
	v3 =	vld [tilespmem:s18+$0xE0]  }
0x110: {  	v5 =	vld [tilespmem:s15+$0xE0]  }
0x111: {  	[tilespmem:s1+$0x20] =	vst v0;
	v0 =	vadd.f32 v4, v1;
	v1 =	vld [tilespmem:s18+$0x120]  }
0x112: {  	v4 =	vld [tilespmem:s15+$0x120]  }
0x113: {  	[tilespmem:s1+$0x60] =	vst v0;
	v0 =	vadd.f32 v6, v2;
	v2 =	vld [tilespmem:s18+$0x160]  }
0x114: {  	v6 =	vld [tilespmem:s15+$0x160]  }
0x115: {  	[tilespmem:s1+$0xA0] =	vst v0;
	v0 =	vadd.f32 v5, v3;
	v3 =	vld [tilespmem:s18+$0x1A0]  }
0x116: {  	v5 =	vld [tilespmem:s15+$0x1A0]  }
0x117: {  	v7 =	vld [tilespmem:s18+$0xFFFFFE30];
	[tilespmem:s1+$0xE0] =	vst v0;
	v0 =	vadd.f32 v4, v1  }
0x118: {  	v1 =	vld [tilespmem:s15+$0xFFFFFE30]  }
0x119: {  	v4 =	vld [tilespmem:s18+$0xFFFFFE70];
	[tilespmem:s1+$0x120] =	vst v0;
	v0 =	vadd.f32 v6, v2  }
0x11a: {  	v2 =	vld [tilespmem:s15+$0xFFFFFE70]  }
0x11b: {  	v6 =	vld [tilespmem:s18+$0xFFFFFEB0];
	[tilespmem:s1+$0x160] =	vst v0;
	v0 =	vadd.f32 v5, v3  }
0x11c: {  	v3 =	vld [tilespmem:s15+$0xFFFFFEB0]  }
0x11d: {  	v1 =	vadd.f32 v1, v7;
	v5 =	vld [tilespmem:s18+$0xFFFFFEF0];
	[tilespmem:s1+$0x1A0] =	vst v0  }
0x11e: {  	v0 =	vld [tilespmem:s15+$0xFFFFFEF0]  }
0x11f: {  	[tilespmem:s1+$0xFFFFFE30] =	vst v1;
	v1 =	vadd.f32 v2, v4;
	v2 =	vld [tilespmem:s18+$0xFFFFFF30]  }
0x120: {  	v4 =	vld [tilespmem:s15+$0xFFFFFF30]  }
0x121: {  	[tilespmem:s1+$0xFFFFFE70] =	vst v1;
	v1 =	vadd.f32 v3, v6;
	v3 =	vld [tilespmem:s18+$0xFFFFFF70]  }
0x122: {  	v6 =	vld [tilespmem:s15+$0xFFFFFF70]  }
0x123: {  	[tilespmem:s1+$0xFFFFFEB0] =	vst v1;
	v0 =	vadd.f32 v0, v5;
	v1 =	vld [tilespmem:s18+$0xFFFFFFB0]  }
0x124: {  	v5 =	vld [tilespmem:s15+$0xFFFFFFB0]  }
0x125: {  	[tilespmem:s1+$0xFFFFFEF0] =	vst v0;
	v0 =	vadd.f32 v4, v2;
	v2 =	vld [tilespmem:s18+$0xFFFFFFF0]  }
0x126: {  	v4 =	vld [tilespmem:s15+$0xFFFFFFF0]  }
0x127: {  	[tilespmem:s1+$0xFFFFFF30] =	vst v0;
	v0 =	vadd.f32 v6, v3;
	v3 =	vld [tilespmem:s18+$0x30]  }
0x128: {  	v6 =	vld [tilespmem:s15+$0x30]  }
0x129: {  	[tilespmem:s1+$0xFFFFFF70] =	vst v0;
	v0 =	vadd.f32 v5, v1;
	v1 =	vld [tilespmem:s18+$0x70]  }
0x12a: {  	v5 =	vld [tilespmem:s15+$0x70]  }
0x12b: {  	[tilespmem:s1+$0xFFFFFFB0] =	vst v0;
	v0 =	vadd.f32 v4, v2;
	v2 =	vld [tilespmem:s18+$0xB0]  }
0x12c: {  	v4 =	vld [tilespmem:s15+$0xB0]  }
0x12d: {  	[tilespmem:s1+$0xFFFFFFF0] =	vst v0;
	v0 =	vadd.f32 v6, v3;
	v6 =	vld [tilespmem:s18+$0xF0]  }
0x12e: {  	v7 =	vld [tilespmem:s15+$0xF0]  }
0x12f: {  	[tilespmem:s1+$0x30] =	vst v0;
	v1 =	vadd.f32 v5, v1;
	v0 =	vld [tilespmem:s18+$0x130]  }
.Ltmp2:
0x130: {  	v3 =	vld [tilespmem:s15+$0x130];
	(pc) =	sbr.rel @p2 .LBB2_3-.Ltmp2, $4  }
0x131: {  	[tilespmem:s1+$0x70] =	vst v1;
	v2 =	vadd.f32 v4, v2;
	v1 =	vld [tilespmem:s18+$0x170]  }
0x132: {  	v4 =	vld [tilespmem:s15+$0x170]  }
0x133: {  	[tilespmem:s1+$0xB0] =	vst v2;
	v6 =	vadd.f32 v7, v6;
	v2 =	vld [tilespmem:s18+$0x1B0]  }
0x134: {  	s18 =	sadd.s32 $0x400, s18;
	v5 =	vld [tilespmem:s15+$0x1B0]  }
0x135: {  	_ =	sdelay $0x1  }
0x136: {  	v0 =	vadd.f32 v3, v0  }
0x137: {  	[tilespmem:s1+$0xF0] =	vst v6;
	s15 =	sshll.u32 s30, $0xE;
	v1 =	vadd.f32 v4, v1  }
0x138: {  	s15 =	sadd.s32 s8, s15;
	[tilespmem:s1+$0x130] =	vst v0;
	v0 =	vadd.f32 v5, v2  }
0x139: {  	s15 =	sshrl.u32 s15, $0x3;
	[tilespmem:s1+$0x170] =	vst v1  }
0x13a: {  	p2 =	seq.s32 s30, $0x63;
	s16 =	sadd.s32 s5, s15;
	[tilespmem:s1+$0x1B0] =	vst v0  }
0x13b: {  	[hbm4b:s16+s3] =	stream.linear.scatter [tilespmem:s22], [sflag:$0x5], $0x2000, $0x38;
	[tilespmem:$0x197A0] =	vst v63  }
0x13c: {  	s15 =	simm.s32 @!p2 $0x80;
	s1 =	sadd.s32 @!p2 $0x100, s31;
	s16 =	simm.s32 @!p2 $0xC800  }
0x13d: {  	[tilespmem:s16], [sflag:$0x1] =	stream.indirect.gather @!p2 [hbm4b:s0+s15], $0x40, s1, s15, $0xb8;
	[tilespmem:$0x197A0] =	vst v63  }
0x13e: {  	s1 =	sadd.s32 @!p2 $0x6500, s31;
	s16 =	simm.s32 @!p2 $0x10800  }
0x13f: {  	[tilespmem:s16], [sflag:$0x3] =	stream.indirect.gather @!p2 [spmem:s2], $0x40, s1, s15, $0xb8;
	[tilespmem:$0x197A0] =	vst v63  }
0x140: {  	_ =	swait.ge [sflag:s23], $0x2000  }
0x141: {  	[sflag:s23] =	ssyncset.done $0x0  }
0x142: {  	[sflag:s23] =	ssyncadd.s32 $0xFFFFE000  }
0x143: {  	_ =	swait.ge [sflag:s24], $0x2000  }
0x144: {  	[sflag:s24] =	ssyncset.done $0x0  }
0x145: {  	s1 =	simm.s32 @!p1 $0x6;
	[sflag:s24] =	ssyncadd.s32 $0xFFFFE000  }
0x146: {  	_ =	swait.ge @!p1 [sflag:s1], $0x2000  }
0x147: {  	[sflag:s1] =	ssyncset.done @!p1 $0x0  }
0x148: {  	s18 =	simm.s32 $0xEBF0;
	[sflag:s1] =	ssyncadd.s32 @!p1 $0xFFFFE000  }
0x149: {  	s15 =	simm.s32 $0x12BF0;
	v0 =	vld [tilespmem:s18+$0xFFFFFFD0]  }
0x14a: {  	v1 =	vld [tilespmem:s15+$0xFFFFFFD0]  }
0x14b: {  	v2 =	vld [tilespmem:s15+$0xFFFFFC10]  }
0x14c: {  	v3 =	vld [tilespmem:s18+$0xFFFFFC50]  }
0x14d: {  	v4 =	vld [tilespmem:s15+$0xFFFFFC50]  }
0x14e: {  	v5 =	vld [tilespmem:s18+$0xFFFFFC90]  }
0x14f: {  	v6 =	vld [tilespmem:s15+$0xFFFFFC90]  }
0x150: {  	v7 =	vld [tilespmem:s18+$0xFFFFFCD0]  }
0x151: {  	v8 =	vld [tilespmem:s15+$0xFFFFFCD0]  }
0x152: {  	v9 =	vld [tilespmem:s18+$0xFFFFFD10]  }
0x153: {  	v10 =	vld [tilespmem:s15+$0xFFFFFD10]  }
0x154: {  	v11 =	vld [tilespmem:s18+$0xFFFFFD50]  }
0x155: {  	v12 =	vld [tilespmem:s15+$0xFFFFFD50]  }
0x156: {  	v13 =	vld [tilespmem:s18+$0xFFFFFD90]  }
0x157: {  	v14 =	vld [tilespmem:s15+$0xFFFFFD90]  }
0x158: {  	v15 =	vld [tilespmem:s18+$0xFFFFFDD0]  }
0x159: {  	v16 =	vld [tilespmem:s15+$0xFFFFFDD0]  }
0x15a: {  	v17 =	vld [tilespmem:s18+$0xFFFFFE10]  }
0x15b: {  	v18 =	vld [tilespmem:s15+$0xFFFFFE10]  }
0x15c: {  	v19 =	vld [tilespmem:s18+$0xFFFFFE50]  }
0x15d: {  	v20 =	vld [tilespmem:s15+$0xFFFFFE50]  }
0x15e: {  	v21 =	vld [tilespmem:s18+$0xFFFFFE90]  }
0x15f: {  	v22 =	vld [tilespmem:s15+$0xFFFFFE90]  }
0x160: {  	v23 =	vld [tilespmem:s18+$0xFFFFFED0]  }
0x161: {  	v24 =	vld [tilespmem:s15+$0xFFFFFED0]  }
0x162: {  	v25 =	vld [tilespmem:s18+$0xFFFFFF10]  }
0x163: {  	v26 =	vld [tilespmem:s15+$0xFFFFFF10]  }
0x164: {  	v27 =	vld [tilespmem:s18+$0xFFFFFF50]  }
0x165: {  	v28 =	vld [tilespmem:s15+$0xFFFFFF50];
	v0 =	vadd.f32 v1, v0  }
0x166: {  	s1 =	simm.s32 $0x16BF0;
	v29 =	vld [tilespmem:s15+$0xFFFFFF90];
	v3 =	vadd.f32 v4, v3  }
0x167: {  	v4 =	vld [tilespmem:s18+$0xFFFFFF90];
	[tilespmem:s1+$0xFFFFFFD0] =	vst v0  }
0x168: {  	[tilespmem:s1+$0xFFFFFC50] =	vst v3;
	v3 =	vadd.f32 v6, v5;
	v5 =	vld [tilespmem:s18+$0xFFFFFC10]  }
0x169: {  	v62 =	vadd.f32 v12, v11;
	v0 =	vld [tilespmem:s18+$0xFFFFFFE0]  }
0x16a: {  	v1 =	vld [tilespmem:s15+$0xFFFFFFE0]  }
0x16b: {  	v33 =	vadd.f32 v14, v13;
	[tilespmem:s1+$0xFFFFFD50] =	vst v62;
	v6 =	vld [tilespmem:s18+$0xFFFFFC60]  }
0x16c: {  	v35 =	vld [tilespmem:s18+$0xFFFFFD60]  }
0x16d: {  	v36 =	vadd.f32 v16, v15;
	[tilespmem:s1+$0xFFFFFD90] =	vst v33;
	v37 =	vld [tilespmem:s15+$0xFFFFFD60]  }
0x16e: {  	v38 =	vld [tilespmem:s18+$0xFFFFFDA0]  }
0x16f: {  	v39 =	vadd.f32 v18, v17;
	[tilespmem:s1+$0xFFFFFDD0] =	vst v36;
	v40 =	vld [tilespmem:s15+$0xFFFFFDA0]  }
0x170: {  	v41 =	vld [tilespmem:s18+$0xFFFFFDE0]  }
0x171: {  	v42 =	vadd.f32 v20, v19;
	[tilespmem:s1+$0xFFFFFE10] =	vst v39;
	v43 =	vld [tilespmem:s15+$0xFFFFFDE0]  }
0x172: {  	v44 =	vld [tilespmem:s18+$0xFFFFFE20]  }
0x173: {  	v45 =	vadd.f32 v22, v21;
	[tilespmem:s1+$0xFFFFFE50] =	vst v42;
	v46 =	vld [tilespmem:s15+$0xFFFFFE20]  }
0x174: {  	v47 =	vld [tilespmem:s18+$0xFFFFFE60]  }
0x175: {  	v48 =	vadd.f32 v24, v23;
	[tilespmem:s1+$0xFFFFFE90] =	vst v45;
	v49 =	vld [tilespmem:s15+$0xFFFFFE60]  }
0x176: {  	v50 =	vld [tilespmem:s18+$0xFFFFFEA0]  }
0x177: {  	v51 =	vadd.f32 v26, v25;
	[tilespmem:s1+$0xFFFFFED0] =	vst v48;
	v52 =	vld [tilespmem:s15+$0xFFFFFEA0]  }
0x178: {  	v53 =	vld [tilespmem:s18+$0xFFFFFEE0]  }
0x179: {  	v54 =	vadd.f32 v28, v27;
	[tilespmem:s1+$0xFFFFFF10] =	vst v51;
	v55 =	vld [tilespmem:s15+$0xFFFFFEE0]  }
0x17a: {  	v56 =	vld [tilespmem:s18+$0xFFFFFF20]  }
0x17b: {  	[tilespmem:s1+$0xFFFFFF50] =	vst v54;
	v57 =	vld [tilespmem:s15+$0xFFFFFF20]  }
0x17c: {  	v58 =	vld [tilespmem:s18+$0xFFFFFF60]  }
0x17d: {  	v59 =	vld [tilespmem:s15+$0xFFFFFF60]  }
0x17e: {  	[tilespmem:s1+$0xFFFFFC90] =	vst v3;
	v3 =	vadd.f32 v8, v7;
	v7 =	vld [tilespmem:s15+$0xFFFFFC60]  }
0x17f: {  	v8 =	vld [tilespmem:s18+$0xFFFFFCA0];
	v4 =	vadd.f32 v29, v4  }
0x180: {  	v61 =	vld [tilespmem:s15+$0xFFFFFCA0];
	[tilespmem:s1+$0xFFFFFCD0] =	vst v3;
	v3 =	vadd.f32 v10, v9  }
0x181: {  	v2 =	vadd.f32 v2, v5;
	v5 =	vld [tilespmem:s18+$0xFFFFFCE0];
	[tilespmem:s1+$0xFFFFFF90] =	vst v4  }
0x182: {  	[tilespmem:s1+$0xFFFFFD10] =	vst v3;
	v3 =	vld [tilespmem:s15+$0xFFFFFCE0]  }
0x183: {  	v60 =	vld [tilespmem:s18+$0xFFFFFFA0]  }
0x184: {  	[tilespmem:s1+$0xFFFFFC10] =	vst v2;
	v2 =	vld [tilespmem:s18+$0xFFFFFD20]  }
0x185: {  	v0 =	vadd.f32 v1, v0;
	v34 =	vld [tilespmem:s15+$0xFFFFFD20]  }
0x186: {  	v63 =	vld [tilespmem:s18+$0xFFFFFC20]  }
0x187: {  	v6 =	vadd.f32 v7, v6;
	[tilespmem:s1+$0xFFFFFFE0] =	vst v0;
	v32 =	vld [tilespmem:s15+$0xFFFFFC20]  }
0x188: {  	v0 =	vld [tilespmem:s18+$0xFFFFFFF0]  }
0x189: {  	v1 =	vld [tilespmem:s15+$0xFFFFFFF0];
	[tilespmem:s1+$0xFFFFFC60] =	vst v6;
	v6 =	vadd.f32 v61, v8  }
0x18a: {  	v61 =	vld [tilespmem:s18+$0xFFFFFC70]  }
0x18b: {  	[tilespmem:s1+$0xFFFFFCA0] =	vst v6;
	v3 =	vadd.f32 v3, v5;
	v5 =	vld [tilespmem:s15+$0xFFFFFC70]  }
0x18c: {  	v6 =	vld [tilespmem:s18+$0xFFFFFCB0]  }
0x18d: {  	v2 =	vadd.f32 v34, v2;
	[tilespmem:s1+$0xFFFFFCE0] =	vst v3;
	v3 =	vld [tilespmem:s15+$0xFFFFFCB0]  }
0x18e: {  	v4 =	vadd.f32 v32, v63;
	v62 =	vld [tilespmem:s18+$0xFFFFFCF0]  }
0x18f: {  	[tilespmem:s1+$0xFFFFFD20] =	vst v2;
	v63 =	vld [tilespmem:s15+$0xFFFFFCF0]  }
0x190: {  	[tilespmem:s1+$0xFFFFFC20] =	vst v4;
	v4 =	vld [tilespmem:s15+$0xFFFFFFA0]  }
0x191: {  	v32 =	vld [tilespmem:s18+$0xFFFFFD30]  }
0x192: {  	v0 =	vadd.f32 v1, v0;
	v33 =	vld [tilespmem:s15+$0xFFFFFD30]  }
0x193: {  	v7 =	vld [tilespmem:s18+$0xFFFFFC30]  }
0x194: {  	v2 =	vadd.f32 v37, v35;
	[tilespmem:s1+$0xFFFFFFF0] =	vst v0;
	v8 =	vld [tilespmem:s15+$0xFFFFFC30]  }
0x195: {  	v0 =	vld [tilespmem:s18+$0x0]  }
0x196: {  	[tilespmem:s1+$0xFFFFFD60] =	vst v2;
	v2 =	vadd.f32 v40, v38;
	v1 =	vld [tilespmem:s15+$0x0]  }
0x197: {  	v34 =	vld [tilespmem:s18+$0xFFFFFD70]  }
0x198: {  	v5 =	vadd.f32 v5, v61;
	v35 =	vld [tilespmem:s15+$0xFFFFFD70];
	[tilespmem:s1+$0xFFFFFDA0] =	vst v2  }
0x199: {  	v36 =	vld [tilespmem:s18+$0xFFFFFDB0]  }
0x19a: {  	v2 =	vadd.f32 v43, v41;
	[tilespmem:s1+$0xFFFFFC70] =	vst v5;
	v37 =	vld [tilespmem:s15+$0xFFFFFDB0]  }
0x19b: {  	v3 =	vadd.f32 v3, v6;
	v6 =	vld [tilespmem:s18+$0xFFFFFC80]  }
0x19c: {  	v51 =	vld [tilespmem:s15+$0xFFFFFC80];
	[tilespmem:s1+$0xFFFFFDE0] =	vst v2;
	v2 =	vadd.f32 v46, v44  }
0x19d: {  	[tilespmem:s1+$0xFFFFFCB0] =	vst v3;
	v38 =	vld [tilespmem:s18+$0xFFFFFDF0]  }
0x19e: {  	v3 =	vadd.f32 v63, v62;
	v39 =	vld [tilespmem:s15+$0xFFFFFDF0];
	[tilespmem:s1+$0xFFFFFE20] =	vst v2  }
0x19f: {  	v40 =	vld [tilespmem:s18+$0xFFFFFE30]  }
0x1a0: {  	v7 =	vadd.f32 v8, v7;
	[tilespmem:s1+$0xFFFFFCF0] =	vst v3;
	v41 =	vld [tilespmem:s15+$0xFFFFFE30]  }
0x1a1: {  	v2 =	vadd.f32 v49, v47;
	v0 =	vadd.f32 v1, v0;
	v1 =	vld [tilespmem:s18+$0xFFFFFD00]  }
0x1a2: {  	[tilespmem:s1+$0xFFFFFC30] =	vst v7;
	v54 =	vld [tilespmem:s15+$0xFFFFFD00]  }
0x1a3: {  	[tilespmem:s1+$0xFFFFFE60] =	vst v2;
	v2 =	vadd.f32 v52, v50;
	v50 =	vld [tilespmem:s18+$0xFFFFFC40]  }
0x1a4: {  	v5 =	vld [tilespmem:s15+$0xFFFFFC40]  }
0x1a5: {  	v3 =	vadd.f32 v33, v32;
	v52 =	vld [tilespmem:s18+$0xFFFFFCC0]  }
0x1a6: {  	v42 =	vld [tilespmem:s18+$0xFFFFFE70]  }
0x1a7: {  	[tilespmem:s1+$0xFFFFFD30] =	vst v3;
	v43 =	vld [tilespmem:s15+$0xFFFFFE70]  }
0x1a8: {  	[tilespmem:s1+$0xFFFFFEA0] =	vst v2;
	v2 =	vadd.f32 v55, v53;
	v53 =	vld [tilespmem:s15+$0xFFFFFCC0]  }
0x1a9: {  	v3 =	vadd.f32 v35, v34;
	v55 =	vld [tilespmem:s18+$0xFFFFFD40]  }
0x1aa: {  	v44 =	vld [tilespmem:s18+$0xFFFFFEB0]  }
0x1ab: {  	[tilespmem:s1+$0xFFFFFD70] =	vst v3;
	v45 =	vld [tilespmem:s15+$0xFFFFFEB0]  }
0x1ac: {  	[tilespmem:s1+$0xFFFFFEE0] =	vst v2;
	v2 =	vadd.f32 v57, v56;
	v56 =	vld [tilespmem:s15+$0xFFFFFD40]  }
0x1ad: {  	v57 =	vld [tilespmem:s18+$0xFFFFFD80]  }
0x1ae: {  	v46 =	vld [tilespmem:s18+$0xFFFFFEF0]  }
0x1af: {  	v47 =	vld [tilespmem:s15+$0xFFFFFEF0]  }
0x1b0: {  	[tilespmem:s1+$0xFFFFFF20] =	vst v2;
	v2 =	vadd.f32 v59, v58;
	v58 =	vld [tilespmem:s15+$0xFFFFFD80]  }
0x1b1: {  	[tilespmem:s1+$0x0] =	vst v0;
	v3 =	vadd.f32 v39, v38;
	v48 =	vld [tilespmem:s18+$0xFFFFFF30]  }
0x1b2: {  	[tilespmem:s1+$0xFFFFFF60] =	vst v2;
	v2 =	vadd.f32 v4, v60;
	v4 =	vld [tilespmem:s15+$0xFFFFFF30]  }
0x1b3: {  	v0 =	vadd.f32 v37, v36;
	[tilespmem:s1+$0xFFFFFDF0] =	vst v3;
	v49 =	vld [tilespmem:s18+$0xFFFFFF70]  }
0x1b4: {  	v3 =	vadd.f32 v43, v42;
	[tilespmem:s1+$0xFFFFFFA0] =	vst v2;
	v2 =	vld [tilespmem:s15+$0xFFFFFF70]  }
0x1b5: {  	[tilespmem:s1+$0xFFFFFDB0] =	vst v0;
	v0 =	vadd.f32 v41, v40;
	v8 =	vld [tilespmem:s18+$0xFFFFFFB0]  }
0x1b6: {  	[tilespmem:s1+$0xFFFFFE70] =	vst v3;
	v3 =	vadd.f32 v47, v46;
	v7 =	vld [tilespmem:s15+$0xFFFFFFB0]  }
0x1b7: {  	[tilespmem:s1+$0xFFFFFE30] =	vst v0;
	v59 =	vld [tilespmem:s18+$0xFFFFFDC0];
	v0 =	vadd.f32 v45, v44  }
0x1b8: {  	[tilespmem:s1+$0xFFFFFEF0] =	vst v3;
	v3 =	vld [tilespmem:s15+$0xFFFFFE00]  }
0x1b9: {  	[tilespmem:s1+$0xFFFFFEB0] =	vst v0;
	v0 =	vadd.f32 v4, v48;
	v4 =	vld [tilespmem:s18+$0xFFFFFE00]  }
0x1ba: {  	v60 =	vld [tilespmem:s15+$0xFFFFFDC0];
	v2 =	vadd.f32 v2, v49  }
0x1bb: {  	v61 =	vld [tilespmem:s18+$0xFFFFFEC0];
	[tilespmem:s1+$0xFFFFFF30] =	vst v0;
	v0 =	vadd.f32 v7, v8  }
0x1bc: {  	v62 =	vld [tilespmem:s18+$0xFFFFFF00];
	[tilespmem:s1+$0xFFFFFF70] =	vst v2;
	v2 =	vadd.f32 v5, v50  }
0x1bd: {  	v7 =	vld [tilespmem:s18+$0xFFFFFE40];
	[tilespmem:s1+$0xFFFFFFB0] =	vst v0;
	v0 =	vadd.f32 v51, v6  }
0x1be: {  	v8 =	vld [tilespmem:s15+$0xFFFFFE80];
	v4 =	vadd.f32 v3, v4;
	[tilespmem:s1+$0xFFFFFC40] =	vst v2  }
0x1bf: {  	v5 =	vld [tilespmem:s15+$0xFFFFFE40];
	v2 =	vadd.f32 v53, v52;
	[tilespmem:s1+$0xFFFFFC80] =	vst v0  }
0x1c0: {  	v6 =	vld [tilespmem:s18+$0xFFFFFE80];
	v0 =	vadd.f32 v54, v1;
	[tilespmem:s1+$0xFFFFFE00] =	vst v4  }
0x1c1: {  	v1 =	vadd.f32 v56, v55;
	[tilespmem:s1+$0xFFFFFCC0] =	vst v2;
	v2 =	vld [tilespmem:s15+$0xFFFFFEC0]  }
0x1c2: {  	v63 =	vld [tilespmem:s15+$0xFFFFFF00];
	[tilespmem:s1+$0xFFFFFD00] =	vst v0;
	v0 =	vadd.f32 v58, v57  }
0x1c3: {  	v3 =	vld [tilespmem:s15+$0xFFFFFF40];
	[tilespmem:s1+$0xFFFFFD40] =	vst v1;
	v1 =	vadd.f32 v60, v59  }
0x1c4: {  	v5 =	vadd.f32 v5, v7;
	[tilespmem:s1+$0xFFFFFD80] =	vst v0;
	v0 =	vld [tilespmem:s18+$0xFFFFFF40]  }
0x1c5: {  	v4 =	vld [tilespmem:s15+$0xFFFFFF80];
	v6 =	vadd.f32 v8, v6;
	[tilespmem:s1+$0xFFFFFDC0] =	vst v1  }
0x1c6: {  	v1 =	vld [tilespmem:s18+$0xFFFFFF80];
	[tilespmem:s1+$0xFFFFFE40] =	vst v5;
	v5 =	vadd.f32 v2, v61  }
0x1c7: {  	[tilespmem:s1+$0xFFFFFE80] =	vst v6;
	v6 =	vadd.f32 v63, v62;
	v2 =	vld [tilespmem:s18+$0xFFFFFFC0]  }
0x1c8: {  	s16 =	simm.s32 $0x0;
	s18 =	simm.s32 $0xEFF0;
	[tilespmem:s1+$0xFFFFFEC0] =	vst v5;
	v5 =	vld [tilespmem:s15+$0xFFFFFFC0]  }
.LBB2_5:
0x1c9: {  	v7 =	vld [tilespmem:s18+$0xFFFFFFD0];
	[tilespmem:s1+$0xFFFFFF00] =	vst v6;
	v0 =	vadd.f32 v3, v0;
	s15 =	sadd.s32 $0x400, s15  }
0x1ca: {  	v3 =	vld [tilespmem:s15+$0xFFFFFFD0]  }
0x1cb: {  	v6 =	vld [tilespmem:s15+$0xFFFFFC10];
	[tilespmem:s1+$0xFFFFFF40] =	vst v0;
	v0 =	vadd.f32 v4, v1  }
0x1cc: {  	v1 =	vld [tilespmem:s18+$0xFFFFFC50]  }
0x1cd: {  	s16 =	sadd.s32 $0x10, s16;
	v4 =	vld [tilespmem:s15+$0xFFFFFC50];
	[tilespmem:s1+$0xFFFFFF80] =	vst v0;
	v0 =	vadd.f32 v5, v2  }
0x1ce: {  	p1 =	slt.u32 s16, $0x70;
	v2 =	vld [tilespmem:s18+$0xFFFFFC90]  }
0x1cf: {  	v5 =	vld [tilespmem:s15+$0xFFFFFC90];
	v3 =	vadd.f32 v3, v7;
	[tilespmem:s1+$0xFFFFFFC0] =	vst v0  }
0x1d0: {  	s1 =	sadd.s32 $0x400, s1;
	v0 =	vld [tilespmem:s18+$0xFFFFFCD0]  }
0x1d1: {  	v7 =	vld [tilespmem:s15+$0xFFFFFCD0];
	[tilespmem:s1+$0xFFFFFFD0] =	vst v3  }
0x1d2: {  	v1 =	vadd.f32 v4, v1;
	v3 =	vld [tilespmem:s18+$0xFFFFFFE0]  }
0x1d3: {  	v4 =	vld [tilespmem:s15+$0xFFFFFFE0]  }
0x1d4: {  	[tilespmem:s1+$0xFFFFFC50] =	vst v1;
	v1 =	vadd.f32 v5, v2;
	v2 =	vld [tilespmem:s18+$0xFFFFFD10]  }
0x1d5: {  	v5 =	vld [tilespmem:s15+$0xFFFFFD10]  }
0x1d6: {  	[tilespmem:s1+$0xFFFFFC90] =	vst v1;
	v0 =	vadd.f32 v7, v0;
	v1 =	vld [tilespmem:s18+$0xFFFFFD50]  }
0x1d7: {  	v7 =	vld [tilespmem:s15+$0xFFFFFD50]  }
0x1d8: {  	[tilespmem:s1+$0xFFFFFCD0] =	vst v0;
	v0 =	vld [tilespmem:s18+$0xFFFFFD90];
	v3 =	vadd.f32 v4, v3  }
0x1d9: {  	v4 =	vld [tilespmem:s15+$0xFFFFFD90]  }
0x1da: {  	v2 =	vadd.f32 v5, v2;
	v5 =	vld [tilespmem:s18+$0xFFFFFDD0];
	[tilespmem:s1+$0xFFFFFFE0] =	vst v3  }
0x1db: {  	v3 =	vld [tilespmem:s18+$0xFFFFFFF0]  }
0x1dc: {  	[tilespmem:s1+$0xFFFFFD10] =	vst v2;
	v1 =	vadd.f32 v7, v1;
	v2 =	vld [tilespmem:s15+$0xFFFFFFF0]  }
0x1dd: {  	v7 =	vld [tilespmem:s15+$0xFFFFFDD0]  }
0x1de: {  	[tilespmem:s1+$0xFFFFFD50] =	vst v1;
	v0 =	vadd.f32 v4, v0;
	v1 =	vld [tilespmem:s18+$0xFFFFFE10]  }
0x1df: {  	v4 =	vld [tilespmem:s15+$0xFFFFFE10]  }
0x1e0: {  	[tilespmem:s1+$0xFFFFFD90] =	vst v0;
	v0 =	vld [tilespmem:s18+$0xFFFFFE50]  }
0x1e1: {  	v8 =	vld [tilespmem:s15+$0xFFFFFE50];
	v2 =	vadd.f32 v2, v3  }
0x1e2: {  	v3 =	vadd.f32 v7, v5;
	v5 =	vld [tilespmem:s18+$0xFFFFFE90]  }
0x1e3: {  	v7 =	vld [tilespmem:s15+$0xFFFFFE90];
	[tilespmem:s1+$0xFFFFFFF0] =	vst v2  }
0x1e4: {  	[tilespmem:s1+$0xFFFFFDD0] =	vst v3;
	v1 =	vadd.f32 v4, v1;
	v2 =	vld [tilespmem:s18+$0x0]  }
0x1e5: {  	v3 =	vld [tilespmem:s15+$0x0]  }
0x1e6: {  	[tilespmem:s1+$0xFFFFFE10] =	vst v1;
	v0 =	vadd.f32 v8, v0;
	v1 =	vld [tilespmem:s18+$0xFFFFFED0]  }
0x1e7: {  	v4 =	vld [tilespmem:s15+$0xFFFFFED0]  }
0x1e8: {  	[tilespmem:s1+$0xFFFFFE50] =	vst v0;
	v0 =	vadd.f32 v7, v5;
	v5 =	vld [tilespmem:s18+$0xFFFFFF10]  }
0x1e9: {  	v7 =	vld [tilespmem:s15+$0xFFFFFF10]  }
0x1ea: {  	[tilespmem:s1+$0xFFFFFE90] =	vst v0;
	v0 =	vld [tilespmem:s18+$0xFFFFFF50];
	v2 =	vadd.f32 v3, v2  }
0x1eb: {  	v3 =	vld [tilespmem:s15+$0xFFFFFF50]  }
0x1ec: {  	v1 =	vadd.f32 v4, v1;
	v4 =	vld [tilespmem:s18+$0xFFFFFF90];
	[tilespmem:s1+$0x0] =	vst v2  }
0x1ed: {  	v2 =	vld [tilespmem:s15+$0xFFFFFF90]  }
0x1ee: {  	v8 =	vld [tilespmem:s18+$0xFFFFFC10];
	[tilespmem:s1+$0xFFFFFED0] =	vst v1;
	v1 =	vadd.f32 v7, v5  }
0x1ef: {  	v5 =	vld [tilespmem:s18+$0xFFFFFC60]  }
0x1f0: {  	v7 =	vld [tilespmem:s15+$0xFFFFFC60];
	[tilespmem:s1+$0xFFFFFF10] =	vst v1;
	v0 =	vadd.f32 v3, v0  }
0x1f1: {  	v1 =	vld [tilespmem:s18+$0xFFFFFCA0]  }
0x1f2: {  	v3 =	vld [tilespmem:s15+$0xFFFFFCA0];
	[tilespmem:s1+$0xFFFFFF50] =	vst v0;
	v0 =	vadd.f32 v2, v4  }
0x1f3: {  	v2 =	vadd.f32 v6, v8;
	v4 =	vld [tilespmem:s18+$0xFFFFFCE0]  }
0x1f4: {  	v6 =	vld [tilespmem:s15+$0xFFFFFCE0];
	[tilespmem:s1+$0xFFFFFF90] =	vst v0  }
0x1f5: {  	[tilespmem:s1+$0xFFFFFC10] =	vst v2;
	v0 =	vadd.f32 v7, v5;
	v2 =	vld [tilespmem:s18+$0xFFFFFD20]  }
0x1f6: {  	v5 =	vld [tilespmem:s18+$0xFFFFFC20]  }
0x1f7: {  	v7 =	vld [tilespmem:s15+$0xFFFFFC20];
	[tilespmem:s1+$0xFFFFFC60] =	vst v0;
	v0 =	vadd.f32 v3, v1  }
0x1f8: {  	v1 =	vld [tilespmem:s15+$0xFFFFFD20]  }
0x1f9: {  	[tilespmem:s1+$0xFFFFFCA0] =	vst v0;
	v0 =	vadd.f32 v6, v4;
	v3 =	vld [tilespmem:s18+$0xFFFFFD60]  }
0x1fa: {  	v4 =	vld [tilespmem:s15+$0xFFFFFD60]  }
0x1fb: {  	[tilespmem:s1+$0xFFFFFCE0] =	vst v0;
	v0 =	vld [tilespmem:s18+$0xFFFFFDA0]  }
0x1fc: {  	v5 =	vadd.f32 v7, v5;
	v6 =	vld [tilespmem:s15+$0xFFFFFDA0]  }
0x1fd: {  	v1 =	vadd.f32 v1, v2;
	v2 =	vld [tilespmem:s18+$0xFFFFFDE0]  }
0x1fe: {  	[tilespmem:s1+$0xFFFFFC20] =	vst v5;
	v5 =	vld [tilespmem:s15+$0xFFFFFDE0]  }
0x1ff: {  	[tilespmem:s1+$0xFFFFFD20] =	vst v1;
	v1 =	vadd.f32 v4, v3;
	v3 =	vld [tilespmem:s18+$0xFFFFFE20]  }
0x200: {  	v4 =	vld [tilespmem:s15+$0xFFFFFE20]  }
0x201: {  	[tilespmem:s1+$0xFFFFFD60] =	vst v1;
	v0 =	vadd.f32 v6, v0;
	v1 =	vld [tilespmem:s18+$0xFFFFFE60]  }
0x202: {  	v6 =	vld [tilespmem:s15+$0xFFFFFE60]  }
0x203: {  	[tilespmem:s1+$0xFFFFFDA0] =	vst v0;
	v0 =	vadd.f32 v5, v2;
	v2 =	vld [tilespmem:s18+$0xFFFFFEA0]  }
0x204: {  	v5 =	vld [tilespmem:s15+$0xFFFFFEA0]  }
0x205: {  	[tilespmem:s1+$0xFFFFFDE0] =	vst v0;
	v0 =	vadd.f32 v4, v3;
	v3 =	vld [tilespmem:s18+$0xFFFFFEE0]  }
0x206: {  	v4 =	vld [tilespmem:s15+$0xFFFFFEE0]  }
0x207: {  	[tilespmem:s1+$0xFFFFFE20] =	vst v0;
	v0 =	vadd.f32 v6, v1;
	v1 =	vld [tilespmem:s18+$0xFFFFFF20]  }
0x208: {  	v6 =	vld [tilespmem:s15+$0xFFFFFF20]  }
0x209: {  	[tilespmem:s1+$0xFFFFFE60] =	vst v0;
	v0 =	vadd.f32 v5, v2;
	v2 =	vld [tilespmem:s18+$0xFFFFFF60]  }
0x20a: {  	v5 =	vld [tilespmem:s15+$0xFFFFFF60]  }
0x20b: {  	[tilespmem:s1+$0xFFFFFEA0] =	vst v0;
	v0 =	vadd.f32 v4, v3;
	v3 =	vld [tilespmem:s18+$0xFFFFFFA0]  }
0x20c: {  	v4 =	vld [tilespmem:s15+$0xFFFFFFA0]  }
0x20d: {  	v7 =	vld [tilespmem:s18+$0xFFFFFC30];
	[tilespmem:s1+$0xFFFFFEE0] =	vst v0;
	v0 =	vadd.f32 v6, v1  }
0x20e: {  	v1 =	vld [tilespmem:s15+$0xFFFFFC30]  }
0x20f: {  	v6 =	vld [tilespmem:s18+$0xFFFFFC70];
	[tilespmem:s1+$0xFFFFFF20] =	vst v0;
	v0 =	vadd.f32 v5, v2  }
0x210: {  	v2 =	vld [tilespmem:s15+$0xFFFFFC70]  }
0x211: {  	v5 =	vld [tilespmem:s18+$0xFFFFFCB0];
	[tilespmem:s1+$0xFFFFFF60] =	vst v0;
	v0 =	vadd.f32 v4, v3  }
0x212: {  	v3 =	vld [tilespmem:s15+$0xFFFFFCB0]  }
0x213: {  	v1 =	vadd.f32 v1, v7;
	v4 =	vld [tilespmem:s18+$0xFFFFFCF0];
	[tilespmem:s1+$0xFFFFFFA0] =	vst v0  }
0x214: {  	v0 =	vld [tilespmem:s15+$0xFFFFFCF0]  }
0x215: {  	[tilespmem:s1+$0xFFFFFC30] =	vst v1;
	v1 =	vadd.f32 v2, v6;
	v2 =	vld [tilespmem:s18+$0xFFFFFD30]  }
0x216: {  	v6 =	vld [tilespmem:s15+$0xFFFFFD30]  }
0x217: {  	[tilespmem:s1+$0xFFFFFC70] =	vst v1;
	v1 =	vadd.f32 v3, v5;
	v3 =	vld [tilespmem:s18+$0xFFFFFD70]  }
0x218: {  	v5 =	vld [tilespmem:s15+$0xFFFFFD70]  }
0x219: {  	[tilespmem:s1+$0xFFFFFCB0] =	vst v1;
	v0 =	vadd.f32 v0, v4;
	v1 =	vld [tilespmem:s18+$0xFFFFFDB0]  }
0x21a: {  	v4 =	vld [tilespmem:s15+$0xFFFFFDB0]  }
0x21b: {  	[tilespmem:s1+$0xFFFFFCF0] =	vst v0;
	v0 =	vadd.f32 v6, v2;
	v2 =	vld [tilespmem:s18+$0xFFFFFDF0]  }
0x21c: {  	v6 =	vld [tilespmem:s15+$0xFFFFFDF0]  }
0x21d: {  	[tilespmem:s1+$0xFFFFFD30] =	vst v0;
	v0 =	vadd.f32 v5, v3;
	v3 =	vld [tilespmem:s18+$0xFFFFFE30]  }
0x21e: {  	v5 =	vld [tilespmem:s15+$0xFFFFFE30]  }
0x21f: {  	[tilespmem:s1+$0xFFFFFD70] =	vst v0;
	v0 =	vadd.f32 v4, v1;
	v1 =	vld [tilespmem:s18+$0xFFFFFE70]  }
0x220: {  	v4 =	vld [tilespmem:s15+$0xFFFFFE70]  }
0x221: {  	[tilespmem:s1+$0xFFFFFDB0] =	vst v0;
	v0 =	vadd.f32 v6, v2;
	v2 =	vld [tilespmem:s18+$0xFFFFFEB0]  }
0x222: {  	v6 =	vld [tilespmem:s15+$0xFFFFFEB0]  }
0x223: {  	[tilespmem:s1+$0xFFFFFDF0] =	vst v0;
	v0 =	vadd.f32 v5, v3;
	v3 =	vld [tilespmem:s18+$0xFFFFFEF0]  }
0x224: {  	v5 =	vld [tilespmem:s15+$0xFFFFFEF0]  }
0x225: {  	[tilespmem:s1+$0xFFFFFE30] =	vst v0;
	v0 =	vadd.f32 v4, v1;
	v1 =	vld [tilespmem:s18+$0xFFFFFF30]  }
0x226: {  	v4 =	vld [tilespmem:s15+$0xFFFFFF30]  }
0x227: {  	[tilespmem:s1+$0xFFFFFE70] =	vst v0;
	v0 =	vadd.f32 v6, v2;
	v2 =	vld [tilespmem:s18+$0xFFFFFF70]  }
0x228: {  	v6 =	vld [tilespmem:s15+$0xFFFFFF70]  }
0x229: {  	[tilespmem:s1+$0xFFFFFEB0] =	vst v0;
	v0 =	vadd.f32 v5, v3;
	v3 =	vld [tilespmem:s18+$0xFFFFFFB0]  }
0x22a: {  	v5 =	vld [tilespmem:s15+$0xFFFFFFB0]  }
0x22b: {  	v7 =	vld [tilespmem:s18+$0xFFFFFC40];
	[tilespmem:s1+$0xFFFFFEF0] =	vst v0;
	v0 =	vadd.f32 v4, v1  }
0x22c: {  	v1 =	vld [tilespmem:s15+$0xFFFFFC40]  }
0x22d: {  	v4 =	vld [tilespmem:s18+$0xFFFFFC80];
	[tilespmem:s1+$0xFFFFFF30] =	vst v0;
	v0 =	vadd.f32 v6, v2  }
0x22e: {  	v2 =	vld [tilespmem:s15+$0xFFFFFC80]  }
0x22f: {  	v6 =	vld [tilespmem:s18+$0xFFFFFCC0];
	[tilespmem:s1+$0xFFFFFF70] =	vst v0;
	v0 =	vadd.f32 v5, v3  }
0x230: {  	v3 =	vld [tilespmem:s15+$0xFFFFFCC0]  }
0x231: {  	v1 =	vadd.f32 v1, v7;
	v5 =	vld [tilespmem:s18+$0xFFFFFD00];
	[tilespmem:s1+$0xFFFFFFB0] =	vst v0  }
0x232: {  	v0 =	vld [tilespmem:s15+$0xFFFFFD00]  }
0x233: {  	[tilespmem:s1+$0xFFFFFC40] =	vst v1;
	v1 =	vadd.f32 v2, v4;
	v2 =	vld [tilespmem:s18+$0xFFFFFD40]  }
0x234: {  	v4 =	vld [tilespmem:s15+$0xFFFFFD40]  }
0x235: {  	[tilespmem:s1+$0xFFFFFC80] =	vst v1;
	v1 =	vadd.f32 v3, v6;
	v3 =	vld [tilespmem:s18+$0xFFFFFD80]  }
0x236: {  	v6 =	vld [tilespmem:s15+$0xFFFFFD80]  }
0x237: {  	[tilespmem:s1+$0xFFFFFCC0] =	vst v1;
	v0 =	vadd.f32 v0, v5;
	v1 =	vld [tilespmem:s18+$0xFFFFFDC0]  }
0x238: {  	v5 =	vld [tilespmem:s15+$0xFFFFFDC0]  }
0x239: {  	[tilespmem:s1+$0xFFFFFD00] =	vst v0;
	v0 =	vadd.f32 v4, v2;
	v2 =	vld [tilespmem:s18+$0xFFFFFE00]  }
0x23a: {  	v4 =	vld [tilespmem:s15+$0xFFFFFE00]  }
0x23b: {  	[tilespmem:s1+$0xFFFFFD40] =	vst v0;
	v0 =	vadd.f32 v6, v3;
	v3 =	vld [tilespmem:s18+$0xFFFFFE40]  }
0x23c: {  	v6 =	vld [tilespmem:s15+$0xFFFFFE40]  }
0x23d: {  	[tilespmem:s1+$0xFFFFFD80] =	vst v0;
	v0 =	vadd.f32 v5, v1;
	v1 =	vld [tilespmem:s18+$0xFFFFFE80]  }
0x23e: {  	v5 =	vld [tilespmem:s15+$0xFFFFFE80]  }
0x23f: {  	[tilespmem:s1+$0xFFFFFDC0] =	vst v0;
	v0 =	vadd.f32 v4, v2;
	v2 =	vld [tilespmem:s18+$0xFFFFFEC0]  }
0x240: {  	v4 =	vld [tilespmem:s15+$0xFFFFFEC0]  }
0x241: {  	[tilespmem:s1+$0xFFFFFE00] =	vst v0;
	v0 =	vadd.f32 v6, v3;
	v6 =	vld [tilespmem:s18+$0xFFFFFF00]  }
0x242: {  	v7 =	vld [tilespmem:s15+$0xFFFFFF00]  }
0x243: {  	[tilespmem:s1+$0xFFFFFE40] =	vst v0;
	v1 =	vadd.f32 v5, v1;
	v0 =	vld [tilespmem:s18+$0xFFFFFF40]  }
.Ltmp3:
0x244: {  	v3 =	vld [tilespmem:s15+$0xFFFFFF40];
	(pc) =	sbr.rel @p1 .LBB2_5-.Ltmp3, $4  }
0x245: {  	[tilespmem:s1+$0xFFFFFE80] =	vst v1;
	v2 =	vadd.f32 v4, v2;
	v1 =	vld [tilespmem:s18+$0xFFFFFF80]  }
0x246: {  	v4 =	vld [tilespmem:s15+$0xFFFFFF80]  }
0x247: {  	[tilespmem:s1+$0xFFFFFEC0] =	vst v2;
	v6 =	vadd.f32 v7, v6;
	v2 =	vld [tilespmem:s18+$0xFFFFFFC0]  }
0x248: {  	s18 =	sadd.s32 $0x400, s18;
	v5 =	vld [tilespmem:s15+$0xFFFFFFC0]  }
0x249: {  	_ =	sdelay $0x1  }
0x24a: {  	v0 =	vadd.f32 v3, v0  }
.Ltmp4:
0x24b: {  	[tilespmem:s1+$0xFFFFFF00] =	vst v6;
	s15 =	sadd.s32 s31, s9;
	v1 =	vadd.f32 v4, v1;
	(pc) =	sbr.rel @p2 .LBB2_8-.Ltmp4, $4  }
0x24c: {  	s15 =	sshll.u32 s15, $0x3;
	[tilespmem:s1+$0xFFFFFF40] =	vst v0;
	v63 =	vadd.f32 v5, v2  }
0x24d: {  	s15 =	sand.u32 $0x1FFFFC00, s15;
	[tilespmem:s1+$0xFFFFFF80] =	vst v1  }
0x24e: {  	s18 =	sadd.s32 s5, s15;
	[tilespmem:s1+$0xFFFFFFC0] =	vst v63  }
0x24f: {  	[hbm4b:s18+s3] =	stream.linear.scatter [tilespmem:s25], [sflag:$0x6], $0x2000, $0x38;
	[tilespmem:$0x197A0] =	vst v63  }
.Ltmp5:
0x250: {  	(pc) =	sbr.rel .LBB2_2-.Ltmp5, $4  }
0x251: {  	s1 =	sadd.s32 $0x180, s31  }
0x252: {  	[tilespmem:s17], [sflag:$0x2] =	stream.indirect.gather [hbm4b:s0+s14], $0x40, s1, s14, $0xb8;
	[tilespmem:$0x197A0] =	vst v63  }
0x253: {  	s31 =	sadd.s32 $0x6580, s31;
	s30 =	sadd.s32 $0x1, s30  }
0x254: {  	[tilespmem:s19], [sflag:$0x4] =	stream.indirect.gather [spmem:s2], $0x40, s31, s14, $0xb8;
	[tilespmem:$0x197A0] =	vst v63  }
.LBB2_9:
0x255: {  	_ =	sfence.sel $0x180000  }
0x256: {  	[bflag:$0x0] =	sbarrier.arrive $0xFFFF  }
0x257: {  	_ =	strace $0x90000047  }
0x258: {  	[bflag:$0x2] =	sbarrier.arrive $0xFFFF  }
0x259: {  	s0 =	rddreg [dreg:$0x3]  }
0x25a: {  	s0 =	sadd.s32 @!p0 $0x100000, s0  }
0x25b: {  	[sflag:s0] =	ssyncadd.tile.s32 @!p0 $0x1;
	_ =	shalt  }
.Lfunc_end2:
_tile_overlayer_lowered:
.L_overlay_start_2:
0x25c: {  	(tag) =	ssettag $0x2  }
0x25d: {  	s0 =	rddreg [dreg:$0x0];
	s2 =	stileid.u32  }
0x25e: {  	s1 =	rddreg [dreg:$0x1];
	p0 =	sne.s32 s2, $0x0  }
0x25f: {  	s3 =	rddreg [dreg:$0x2];
	[bflag:$0x3] =	sbarrier.arrive $0xFFFF;
	s2 =	simm.s32 @!p0 $0x1C07  }
0x260: {  	[timem:s3], [sflag:s2] =	dma.local @!p0 [hbm:s0], s1  }
0x261: {  	s0 =	simm.s32 @!p0 $0x7  }
0x262: {  	_ =	swait.ge @!p0 [sflag:s0], s1  }
0x263: {  	s1 =	ssub.s32 @!p0 $0x0, s1;
	[sflag:s0] =	ssyncset.done @!p0 $0x0  }
0x264: {  	[sflag:s0] =	ssyncadd.s32 @!p0 s1  }
0x265: {  	[bflag:$0x3] =	sbarrier.arrive $0xFFFF  }
0x266: {  	_ =	shalt  }

</sc_bundles>
